<compile_context>
chip_gen: v7x
topology: tpu7x:2x2x1
jax: 0.10.2.dev20260603
libtpu: 0.0.44.dev20260713+nightly
codegen_flags: <defaults>
</compile_context>

<pallas_src>
import functools

import jax
import jax.numpy as jnp
from jax import lax
from jax.experimental import pallas as pl
from jax.experimental.pallas import tpu as pltpu
from jax.experimental.pallas import tpu_sc as plsc

NC, NS, L = 2, 16, 16
NW = NC * NS
HIDDEN = 64
SEQ = 200
SEQP = 208
NPOS = 401
MAXLEN = 200
TBL = NPOS * HIDDEN
ROWS_A = 96
ROWS_B = SEQ - ROWS_A
EPS = 1e-12

_MESH = plsc.VectorSubcoreMesh(core_axis_name="c", subcore_axis_name="s")
_SC_PARAMS = pltpu.CompilerParams(needs_layout_passes=False)


_RB = 8


def _tc_embed_x(ids, word_table, lin_W, lin_b2, g2, b2):
    n = ids.shape[0]

    def body(ids_ref, *refs):
        i = pl.program_id(0)
        sub = lax.broadcasted_iota(jnp.int32, (8, HIDDEN), 0)
        rows = []
        for k in range(_RB):
            blk = refs[k][...]
            r = ids_ref[i * _RB + k] % 8
            rows.append(jnp.sum(jnp.where(sub == r, blk, 0.0), axis=0,
                                keepdims=True))
        w_ref, lb_ref, g_ref, bb_ref, x_ref = refs[_RB:]
        rmat = jnp.concatenate(rows, axis=0)
        x = lax.dot_general(rmat, w_ref[...], (((1,), (1,)), ((), ())),
                            preferred_element_type=jnp.float32)
        x = x + lb_ref[...]
        mu = jnp.mean(x, axis=1, keepdims=True)
        xc = x - mu
        var = jnp.mean(xc * xc, axis=1, keepdims=True)
        x_ref[...] = xc * lax.rsqrt(var + EPS) * g_ref[...] + bb_ref[...]

    def row_spec(k):
        return pl.BlockSpec(
            (8, HIDDEN), lambda i, ids_r, k=k: (ids_r[i * _RB + k] // 8, 0))

    full = lambda shape: pl.BlockSpec(shape, lambda i, ids_r: (0, 0))
    grid_spec = pltpu.PrefetchScalarGridSpec(
        num_scalar_prefetch=1,
        grid=(n // _RB,),
        in_specs=[row_spec(k) for k in range(_RB)]
        + [full(lin_W.shape), full(lin_b2.shape), full(g2.shape),
           full(b2.shape)],
        out_specs=pl.BlockSpec((_RB, HIDDEN), lambda i, ids_r: (i, 0)),
    )
    return pl.pallas_call(
        body, grid_spec=grid_spec,
        out_shape=jax.ShapeDtypeStruct((n, HIDDEN), jnp.float32),
        compiler_params=pltpu.CompilerParams(
            allow_input_fusion=[False] + [True] * _RB + [False] * 4),
    )(ids, *([word_table] * _RB), lin_W, lin_b2, g2, b2)


def _tc_tables(rel_table, fus_W, fus_b2):
    def body(rel_ref, w_ref, b_ref, out_ref):
        rel = rel_ref[...]
        w = w_ref[...]
        for kk in range(4):
            wk = w[:, kk * HIDDEN:(kk + 1) * HIDDEN]
            pk = lax.dot_general(rel, wk, (((1,), (1,)), ((), ())),
                                 preferred_element_type=jnp.float32)
            if kk == 0:
                pk = pk + b_ref[...]
            out_ref[pl.ds(kk * NPOS, NPOS), :] = pk

    return pl.pallas_call(
        body, out_shape=jax.ShapeDtypeStruct((4 * NPOS, HIDDEN), jnp.float32),
    )(rel_table, fus_W, fus_b2)


def _relpos(p_flat, ps_pad, pe_pad):
    items_per = (4 * SEQ) // NW
    nchunks = SEQP // L

    @functools.partial(
        pl.kernel, mesh=_MESH,
        out_type=jax.ShapeDtypeStruct((4, SEQ, SEQ, HIDDEN), jnp.float32),
        compiler_params=_SC_PARAMS,
        scratch_types=[
            pltpu.VMEM((4 * TBL,), jnp.float32),
            pltpu.VMEM((4 * SEQP,), jnp.int32),
            pltpu.VMEM((4 * SEQP,), jnp.int32),
            pltpu.VMEM((ROWS_A, HIDDEN), jnp.float32),
            pltpu.VMEM((ROWS_B, HIDDEN), jnp.float32),
            pltpu.SemaphoreType.DMA,
            pltpu.SemaphoreType.DMA,
        ],
    )
    def k(p_hbm, ps_hbm, pe_hbm, out_hbm,
          p_v, ps_v, pe_v, buf_a, buf_b, sem_a, sem_b):
        wid = lax.axis_index("s") * NC + lax.axis_index("c")
        pltpu.sync_copy(p_hbm, p_v)
        pltpu.sync_copy(ps_hbm, ps_v)
        pltpu.sync_copy(pe_hbm, pe_v)
        lanes = lax.broadcasted_iota(jnp.int32, (L,), 0)

        def do_item(t, do_wait):
            b = t // SEQ
            i = t - b * SEQ
            pb = b * SEQP
            ivec = jnp.broadcast_to(pb + i, (L,))
            s_i = plsc.load_gather(ps_v, [ivec])
            e_i = plsc.load_gather(pe_v, [ivec])

            def half(bslot, sem, jc_lo, jc_hi, row_off, nrows):
                if do_wait:
                    pltpu.make_async_copy(
                        bslot, out_hbm.at[b, i, pl.ds(row_off, nrows)],
                        sem).wait()

                def chunk_body(jc, c2):
                    off = pb + jc * L
                    s_j = ps_v[pl.ds(off, L)]
                    e_j = pe_v[pl.ds(off, L)]
                    base0 = (s_i - s_j) * HIDDEN + (MAXLEN * HIDDEN)
                    base1 = (s_i - e_j) * HIDDEN + (MAXLEN * HIDDEN + TBL)
                    base2 = (e_i - s_j) * HIDDEN + (MAXLEN * HIDDEN + 2 * TBL)
                    base3 = (e_i - e_j) * HIDDEN + (MAXLEN * HIDDEN + 3 * TBL)
                    jl = jc * L + lanes - row_off
                    msk = jl < nrows

                    @plsc.parallel_loop(0, HIDDEN, unroll=8)
                    def d_body(d):
                        c = (lanes + d) & 63
                        g0 = plsc.load_gather(p_v, [base0 + c])
                        g1 = plsc.load_gather(p_v, [base1 + c])
                        g2 = plsc.load_gather(p_v, [base2 + c])
                        g3 = plsc.load_gather(p_v, [base3 + c])
                        v = jnp.maximum((g0 + g1) + (g2 + g3), 0.0)
                        plsc.store_scatter(bslot, [jl, c], v, mask=msk)

                    return c2

                lax.fori_loop(jc_lo, jc_hi, chunk_body, 0)
                pltpu.async_copy(
                    bslot, out_hbm.at[b, i, pl.ds(row_off, nrows)], sem)

            half(buf_a, sem_a, 0, ROWS_A // L, 0, ROWS_A)
            half(buf_b, sem_b, ROWS_A // L, nchunks, ROWS_A, ROWS_B)

        t0 = wid * items_per

        def item_loop(tt, c):
            do_item(t0 + tt, True)
            return c

        do_item(t0, False)
        lax.fori_loop(1, items_per, item_loop, 0)
        pltpu.make_async_copy(buf_a, out_hbm.at[0, 0, pl.ds(0, ROWS_A)],
                              sem_a).wait()
        pltpu.make_async_copy(buf_b, out_hbm.at[0, 0, pl.ds(ROWS_A, ROWS_B)],
                              sem_b).wait()

    return k(p_flat, ps_pad, pe_pad)


def kernel(input_ids, pos_s, pos_e, word_table, lin_W, lin_b, ln_g, ln_b,
           rel_table, fus_W, fus_b):
    n_tok = input_ids.size
    p_tab = _tc_tables(rel_table, fus_W, fus_b.reshape(1, -1))
    ps_pad = jnp.pad(pos_s, ((0, 0), (0, SEQP - SEQ))).reshape(-1)
    pe_pad = jnp.pad(pos_e, ((0, 0), (0, SEQP - SEQ))).reshape(-1)
    rel = _relpos(p_tab.reshape(-1), ps_pad.astype(jnp.int32),
                  pe_pad.astype(jnp.int32))
    one = 1.0 + 0.0 * input_ids[0, 0].astype(jnp.float32)
    x = _tc_embed_x(input_ids.reshape(-1).astype(jnp.int32),
                    word_table * one,
                    lin_W, lin_b.reshape(1, -1), ln_g.reshape(1, -1),
                    ln_b.reshape(1, -1))
    x = x.reshape(input_ids.shape + (HIDDEN,))
    return x, rel

# --- scband reference (transcript-rebuilt; emitter-appended) ---
"""Pipeline reference for scband-bert-embeddings-11450382812022 (READ-ONLY COPY).

The authoritative reference and input builder live on the scoring server;
editing this copy changes nothing except your own understanding.
"""

import math
import jax, jax.numpy as jnp
import numpy as np

VOCAB = 1000000
HIDDEN = 64
MAX_SEQ_LEN = 200
BATCH = 4
SEQ = 200
EPS = 1e-12


def get_sinusoid_table(max_seq_len, embedding_dim, rel_pos_init=0):
    num_embeddings = 2 * max_seq_len + 1
    half_dim = embedding_dim // 2
    scale = math.log(10000) / (half_dim - 1)
    freqs = jnp.exp(jnp.arange(half_dim, dtype=jnp.float32) * -scale)
    if rel_pos_init == 0:
        pos = jnp.arange(num_embeddings, dtype=jnp.float32)
    else:
        pos = jnp.arange(-max_seq_len, max_seq_len + 1, dtype=jnp.float32)
    emb = pos[:, None] * freqs[None, :]
    emb = jnp.concatenate([jnp.sin(emb), jnp.cos(emb)], axis=1).reshape(num_embeddings, -1)
    if embedding_dim % 2 == 1:
        emb = jnp.concatenate([emb, jnp.zeros((num_embeddings, 1), dtype=jnp.float32)], axis=1)
    pe_sum = emb.sum(axis=-1, keepdims=True)
    emb = emb / pe_sum
    return emb


def setup_inputs(seed: int = 0) -> dict:
    key = jax.random.key(seed)
    ks = jax.random.split(key, 10)
    input_ids = jax.random.randint(ks[0], (BATCH, SEQ), 0, VOCAB, dtype=jnp.int32)
    pos_s = jnp.sort(jax.random.randint(ks[1], (BATCH, SEQ), 0, SEQ, dtype=jnp.int32), axis=-1)
    pos_e = jnp.sort(jax.random.randint(ks[2], (BATCH, SEQ), 0, SEQ, dtype=jnp.int32), axis=-1)
    word_table = jax.random.normal(ks[3], (VOCAB, HIDDEN), dtype=jnp.float32) * 0.02
    word_table = word_table.at[0].set(0.0)  # padding_idx=0
    lin_W = jax.random.normal(ks[4], (HIDDEN, HIDDEN), dtype=jnp.float32) * 0.05
    lin_b = jnp.zeros((HIDDEN,), dtype=jnp.float32)
    ln_g = jnp.ones((HIDDEN,), dtype=jnp.float32)
    ln_b = jnp.zeros((HIDDEN,), dtype=jnp.float32)
    rel_table = get_sinusoid_table(MAX_SEQ_LEN, HIDDEN, rel_pos_init=0)
    fus_W = jax.random.normal(ks[5], (HIDDEN, HIDDEN * 4), dtype=jnp.float32) * 0.05
    fus_b = jnp.zeros((HIDDEN,), dtype=jnp.float32)
    return {"input_ids": input_ids, "pos_s": pos_s, "pos_e": pos_e,
            "word_table": word_table, "lin_W": lin_W, "lin_b": lin_b,
            "ln_g": ln_g, "ln_b": ln_b, "rel_table": rel_table,
            "fus_W": fus_W, "fus_b": fus_b}


def reference(input_ids, pos_s, pos_e, word_table, lin_W, lin_b, ln_g, ln_b, rel_table, fus_W, fus_b):
    # word embedding lookup (gather) -> linear -> LayerNorm (dropout p=0 is identity)
    x = jnp.take(word_table, input_ids, axis=0)
    x = x @ lin_W.T + lin_b
    mu = x.mean(axis=-1, keepdims=True)
    var = ((x - mu) ** 2).mean(axis=-1, keepdims=True)
    x = (x - mu) / jnp.sqrt(var + EPS) * ln_g + ln_b
    # FLAT-style relative position fusion over (start,end) spans
    pos_ss = pos_s[:, :, None] - pos_s[:, None, :] + MAX_SEQ_LEN
    pos_se = pos_s[:, :, None] - pos_e[:, None, :] + MAX_SEQ_LEN
    pos_es = pos_e[:, :, None] - pos_s[:, None, :] + MAX_SEQ_LEN
    pos_ee = pos_e[:, :, None] - pos_e[:, None, :] + MAX_SEQ_LEN
    pe_ss = jnp.take(rel_table, pos_ss, axis=0)
    pe_se = jnp.take(rel_table, pos_se, axis=0)
    pe_es = jnp.take(rel_table, pos_es, axis=0)
    pe_ee = jnp.take(rel_table, pos_ee, axis=0)
    pe = jnp.concatenate([pe_ss, pe_se, pe_es, pe_ee], axis=-1)
    rel_pos_embedding = jax.nn.relu(pe @ fus_W.T + fus_b)
    return x, rel_pos_embedding

if __name__ == "__main__":
    import jax
    _d = setup_inputs()
    print(jax.jit(kernel)(*tuple(_d.values())))

</pallas_src>

<mosaic_0001>
#map = affine_map<(d0, d1) -> (0)>
#map1 = affine_map<(d0, d1) -> (0, 0, 0, 0)>
module attributes {stable_mosaic.version = 14 : i64} {
  func.func @k(%arg0: i32, %arg1: i32, %arg2: memref<102656xf32, #tpu.memory_space<hbm>>, %arg3: memref<832xi32, #tpu.memory_space<hbm>>, %arg4: memref<832xi32, #tpu.memory_space<hbm>>, %arg5: memref<4x200x200x64xf32, #tpu.memory_space<hbm>>, %arg6: memref<102656xf32, #tpu.memory_space<vmem>>, %arg7: memref<832xi32, #tpu.memory_space<vmem>>, %arg8: memref<832xi32, #tpu.memory_space<vmem>>, %arg9: memref<96x64xf32, #tpu.memory_space<vmem>>, %arg10: memref<104x64xf32, #tpu.memory_space<vmem>>, %arg11: memref<!tpu.dma_semaphore, #tpu.memory_space<semaphore_mem>>, %arg12: memref<!tpu.dma_semaphore, #tpu.memory_space<semaphore_mem>>) attributes {dimension_semantics = [#tpu.dimension_semantics<core_parallel>, #tpu.dimension_semantics<subcore_parallel>], iteration_bounds = array<i64: 2, 16>, scalar_prefetch = 0 : i64, scratch_operands = 7 : i64, tpu.core_type = #tpu.core_type<sc_vector_subcore>, window_params = [{transform_indices = #map}, {transform_indices = #map}, {transform_indices = #map}, {transform_indices = #map1}]} {
    %mul3A = arith.constant 2 : i32
    %mul3A_0 = arith.muli %arg1, %mul3A : i32
    %add3A = arith.addi %mul3A_0, %arg0 : i32
    "tpu.region"() ({
      %run_scoped3A = tpu.sem_alloc : memref<!tpu.dma_semaphore, #tpu.memory_space<semaphore_mem>>
      tpu.enqueue_dma source(%arg2 : memref<102656xf32, #tpu.memory_space<hbm>>) target(%arg6 : memref<102656xf32, #tpu.memory_space<vmem>>) target_semaphore(%run_scoped3A : memref<!tpu.dma_semaphore, #tpu.memory_space<semaphore_mem>>)
      tpu.wait_dma2 semaphore(%run_scoped3A : memref<!tpu.dma_semaphore, #tpu.memory_space<semaphore_mem>>) src(%arg2 : memref<102656xf32, #tpu.memory_space<hbm>>) dst(%arg6 : memref<102656xf32, #tpu.memory_space<vmem>>)
      tpu.yield
    }) : () -> ()
    "tpu.region"() ({
      %run_scoped3A = tpu.sem_alloc : memref<!tpu.dma_semaphore, #tpu.memory_space<semaphore_mem>>
      tpu.enqueue_dma source(%arg3 : memref<832xi32, #tpu.memory_space<hbm>>) target(%arg7 : memref<832xi32, #tpu.memory_space<vmem>>) target_semaphore(%run_scoped3A : memref<!tpu.dma_semaphore, #tpu.memory_space<semaphore_mem>>)
      tpu.wait_dma2 semaphore(%run_scoped3A : memref<!tpu.dma_semaphore, #tpu.memory_space<semaphore_mem>>) src(%arg3 : memref<832xi32, #tpu.memory_space<hbm>>) dst(%arg7 : memref<832xi32, #tpu.memory_space<vmem>>)
      tpu.yield
    }) : () -> ()
    "tpu.region"() ({
      %run_scoped3A = tpu.sem_alloc : memref<!tpu.dma_semaphore, #tpu.memory_space<semaphore_mem>>
      tpu.enqueue_dma source(%arg4 : memref<832xi32, #tpu.memory_space<hbm>>) target(%arg8 : memref<832xi32, #tpu.memory_space<vmem>>) target_semaphore(%run_scoped3A : memref<!tpu.dma_semaphore, #tpu.memory_space<semaphore_mem>>)
      tpu.wait_dma2 semaphore(%run_scoped3A : memref<!tpu.dma_semaphore, #tpu.memory_space<semaphore_mem>>) src(%arg4 : memref<832xi32, #tpu.memory_space<hbm>>) dst(%arg8 : memref<832xi32, #tpu.memory_space<vmem>>)
      tpu.yield
    }) : () -> ()
    %iota3A = tpu.iota {dimensions = array<i32: 0>} : vector<16xi32>
    %mul3A_1 = arith.constant 25 : i32
    %mul3A_2 = arith.muli %add3A, %mul3A_1 : i32
    %jit3A = arith.constant 200 : i32
    %div3A = arith.divsi %mul3A_2, %jit3A : i32
    %sign3A = arith.constant 0 : i32
    %sign3A_3 = arith.cmpi sgt, %mul3A_2, %sign3A : i32
    %sign3A_4 = arith.extui %sign3A_3 : i1 to i32
    %sign3A_5 = arith.constant 0 : i32
    %sign3A_6 = arith.cmpi slt, %mul3A_2, %sign3A_5 : i32
    %sign3A_7 = arith.extui %sign3A_6 : i1 to i32
    %sign3A_8 = arith.subi %sign3A_4, %sign3A_7 : i32
    %sign3A_9 = arith.constant 0 : i32
    %sign3A_10 = arith.cmpi sgt, %jit3A, %sign3A_9 : i32
    %sign3A_11 = arith.extui %sign3A_10 : i1 to i32
    %sign3A_12 = arith.constant 0 : i32
    %sign3A_13 = arith.cmpi slt, %jit3A, %sign3A_12 : i32
    %sign3A_14 = arith.extui %sign3A_13 : i1 to i32
    %sign3A_15 = arith.subi %sign3A_11, %sign3A_14 : i32
    %ne3A = arith.cmpi ne, %sign3A_8, %sign3A_15 : i32
    %rem3A = arith.remsi %mul3A_2, %jit3A : i32
    %ne3A_16 = arith.constant 0 : i32
    %ne3A_17 = arith.cmpi ne, %rem3A, %ne3A_16 : i32
    %and3A = arith.andi %ne3A, %ne3A_17 : i1
    %sub3A = arith.constant 1 : i32
    %sub3A_18 = arith.subi %div3A, %sub3A : i32
    %select_n3A = arith.select %and3A, %sub3A_18, %div3A : i32
    %mul3A_19 = arith.constant 200 : i32
    %mul3A_20 = arith.muli %select_n3A, %mul3A_19 : i32
    %sub3A_21 = arith.subi %mul3A_2, %mul3A_20 : i32
    %mul3A_22 = arith.constant 208 : i32
    %mul3A_23 = arith.muli %select_n3A, %mul3A_22 : i32
    %add3A_24 = arith.addi %mul3A_23, %sub3A_21 : i32
    %broadcast_in_dim3A = vector.broadcast %add3A_24 : i32 to vector<16xi32>
    %gather3A = tpu.vector_load_idx %arg7[%broadcast_in_dim3A] : memref<832xi32, #tpu.memory_space<vmem>>[vector<16xi32>], vector<16xi32>,
    %gather3A_25 = tpu.vector_load_idx %arg8[%broadcast_in_dim3A] : memref<832xi32, #tpu.memory_space<vmem>>[vector<16xi32>], vector<16xi32>,
    %scan3A = arith.constant 0 : i32
    %scan3A_26 = arith.constant 0 : i32
    %scan3A_27 = arith.constant 6 : i32
    %scan3A_28 = arith.addi %scan3A_26, %scan3A_27 : i32
    %scan3A_29 = arith.constant 1 : i32
    scf.for %scan3A_77 = %scan3A_26 to %scan3A_28 step %scan3A_29  : i32 {
      %mul3A_78 = arith.constant 16 : i32
      %mul3A_79 = arith.muli %scan3A_77, %mul3A_78 : i32
      %add3A_80 = arith.addi %mul3A_23, %mul3A_79 : i32
      %get3A = arith.index_cast %add3A_80 : i32 to index
      %get3A_81 = tpu.vector_load %arg7[%get3A] {strides = array<i32>} : memref<832xi32, #tpu.memory_space<vmem>>, vector<16xi32>,
      %get3A_82 = arith.index_cast %add3A_80 : i32 to index
      %get3A_83 = tpu.vector_load %arg8[%get3A_82] {strides = array<i32>} : memref<832xi32, #tpu.memory_space<vmem>>, vector<16xi32>,
      %sub3A_84 = arith.subi %gather3A, %get3A_81 : vector<16xi32>
      %mul3A_85 = arith.constant 64 : i32
      %mul3A_86 = vector.broadcast %mul3A_85 : i32 to vector<16xi32>
      %mul3A_87 = arith.muli %sub3A_84, %mul3A_86 : vector<16xi32>
      %add3A_88 = arith.constant 12800 : i32
      %add3A_89 = vector.broadcast %add3A_88 : i32 to vector<16xi32>
      %add3A_90 = arith.addi %mul3A_87, %add3A_89 : vector<16xi32>
      %sub3A_91 = arith.subi %gather3A, %get3A_83 : vector<16xi32>
      %mul3A_92 = arith.constant 64 : i32
      %mul3A_93 = vector.broadcast %mul3A_92 : i32 to vector<16xi32>
      %mul3A_94 = arith.muli %sub3A_91, %mul3A_93 : vector<16xi32>
      %add3A_95 = arith.constant 38464 : i32
      %add3A_96 = vector.broadcast %add3A_95 : i32 to vector<16xi32>
      %add3A_97 = arith.addi %mul3A_94, %add3A_96 : vector<16xi32>
      %sub3A_98 = arith.subi %gather3A_25, %get3A_81 : vector<16xi32>
      %mul3A_99 = arith.constant 64 : i32
      %mul3A_100 = vector.broadcast %mul3A_99 : i32 to vector<16xi32>
      %mul3A_101 = arith.muli %sub3A_98, %mul3A_100 : vector<16xi32>
      %add3A_102 = arith.constant 64128 : i32
      %add3A_103 = vector.broadcast %add3A_102 : i32 to vector<16xi32>
      %add3A_104 = arith.addi %mul3A_101, %add3A_103 : vector<16xi32>
      %sub3A_105 = arith.subi %gather3A_25, %get3A_83 : vector<16xi32>
      %mul3A_106 = arith.constant 64 : i32
      %mul3A_107 = vector.broadcast %mul3A_106 : i32 to vector<16xi32>
      %mul3A_108 = arith.muli %sub3A_105, %mul3A_107 : vector<16xi32>
      %add3A_109 = arith.constant 89792 : i32
      %add3A_110 = vector.broadcast %add3A_109 : i32 to vector<16xi32>
      %add3A_111 = arith.addi %mul3A_108, %add3A_110 : vector<16xi32>
      %mul3A_112 = arith.constant 16 : i32
      %mul3A_113 = arith.muli %scan3A_77, %mul3A_112 : i32
      %add3A_114 = vector.broadcast %mul3A_113 : i32 to vector<16xi32>
      %add3A_115 = arith.addi %add3A_114, %iota3A : vector<16xi32>
      %sub3A_116 = arith.constant 0 : i32
      %sub3A_117 = vector.broadcast %sub3A_116 : i32 to vector<16xi32>
      %sub3A_118 = arith.subi %add3A_115, %sub3A_117 : vector<16xi32>
      %lt3A = arith.constant 96 : i32
      %lt3A_119 = vector.broadcast %lt3A : i32 to vector<16xi32>
      %lt3A_120 = arith.cmpi slt, %sub3A_118, %lt3A_119 : vector<16xi32>
      %parallel_loop3A = arith.constant 0 : i32
      %parallel_loop3A_121 = arith.constant 64 : i32
      %parallel_loop3A_122 = arith.constant 1 : i32
      scf.for %parallel_loop3A_123 = %parallel_loop3A to %parallel_loop3A_121 step %parallel_loop3A_122  : i32 {
        %parallel_loop3A_124 = vector.broadcast %parallel_loop3A_123 : i32 to vector<16xi32>
        %parallel_loop3A_125 = arith.addi %iota3A, %parallel_loop3A_124 : vector<16xi32>
        %parallel_loop3A_126 = arith.constant 63 : i32
        %parallel_loop3A_127 = vector.broadcast %parallel_loop3A_126 : i32 to vector<16xi32>
        %parallel_loop3A_128 = arith.andi %parallel_loop3A_125, %parallel_loop3A_127 : vector<16xi32>
        %parallel_loop3A_129 = arith.addi %add3A_90, %parallel_loop3A_128 : vector<16xi32>
        %parallel_loop3A_130 = tpu.vector_load_idx %arg6[%parallel_loop3A_129] : memref<102656xf32, #tpu.memory_space<vmem>>[vector<16xi32>], vector<16xf32>,
        %parallel_loop3A_131 = arith.addi %add3A_97, %parallel_loop3A_128 : vector<16xi32>
        %parallel_loop3A_132 = tpu.vector_load_idx %arg6[%parallel_loop3A_131] : memref<102656xf32, #tpu.memory_space<vmem>>[vector<16xi32>], vector<16xf32>,
        %parallel_loop3A_133 = arith.addi %add3A_104, %parallel_loop3A_128 : vector<16xi32>
        %parallel_loop3A_134 = tpu.vector_load_idx %arg6[%parallel_loop3A_133] : memref<102656xf32, #tpu.memory_space<vmem>>[vector<16xi32>], vector<16xf32>,
        %parallel_loop3A_135 = arith.addi %add3A_111, %parallel_loop3A_128 : vector<16xi32>
        %parallel_loop3A_136 = tpu.vector_load_idx %arg6[%parallel_loop3A_135] : memref<102656xf32, #tpu.memory_space<vmem>>[vector<16xi32>], vector<16xf32>,
        %parallel_loop3A_137 = arith.addf %parallel_loop3A_130, %parallel_loop3A_132 : vector<16xf32>
        %parallel_loop3A_138 = arith.addf %parallel_loop3A_134, %parallel_loop3A_136 : vector<16xf32>
        %parallel_loop3A_139 = arith.addf %parallel_loop3A_137, %parallel_loop3A_138 : vector<16xf32>
        %parallel_loop3A_140 = arith.constant 0.000000e+00 : f32
        %parallel_loop3A_141 = vector.broadcast %parallel_loop3A_140 : f32 to vector<16xf32>
        %parallel_loop3A_142 = arith.maximumf %parallel_loop3A_139, %parallel_loop3A_141 : vector<16xf32>
        tpu.vector_store_idx %arg9[%sub3A_118, %parallel_loop3A_128], %parallel_loop3A_142 masked %lt3A_120 : memref<96x64xf32, #tpu.memory_space<vmem>>[vector<16xi32>, vector<16xi32>], vector<16xf32>, vector<16xi1>
      } {sc.loop_unroll_factor = 8 : i64, sc.parallel_access}
    }
    %scan3A_30 = arith.constant 6 : i32
    %dma_start3A = arith.constant 0 : i32
    %dma_start3A_31 = arith.constant 0 : i32
    %dma_start3A_32 = tpu.memref_slice %arg5[%select_n3A, %sub3A_21, %dma_start3A, %dma_start3A_31] : memref<4x200x200x64xf32, #tpu.memory_space<hbm>> -> memref<1x1x96x64xf32, #tpu.memory_space<hbm>>
    %dma_start3A_33 = tpu.memref_squeeze %dma_start3A_32 : memref<1x1x96x64xf32, #tpu.memory_space<hbm>> -> memref<96x64xf32, #tpu.memory_space<hbm>>
    %dma_start3A_34 = arith.constant 0 : i32
    %dma_start3A_35 = arith.constant 0 : i32
    %dma_start3A_36 = tpu.memref_slice %arg5[%select_n3A, %sub3A_21, %dma_start3A_34, %dma_start3A_35] : memref<4x200x200x64xf32, #tpu.memory_space<hbm>> -> memref<1x1x96x64xf32, #tpu.memory_space<hbm>>
    %dma_start3A_37 = tpu.memref_squeeze %dma_start3A_36 : memref<1x1x96x64xf32, #tpu.memory_space<hbm>> -> memref<96x64xf32, #tpu.memory_space<hbm>>
    tpu.enqueue_dma source(%arg9 : memref<96x64xf32, #tpu.memory_space<vmem>>) target(%dma_start3A_37 : memref<96x64xf32, #tpu.memory_space<hbm>>) target_semaphore(%arg11 : memref<!tpu.dma_semaphore, #tpu.memory_space<semaphore_mem>>)
    %scan3A_38 = arith.constant 0 : i32
    %scan3A_39 = arith.constant 6 : i32
    %scan3A_40 = arith.constant 7 : i32
    %scan3A_41 = arith.addi %scan3A_39, %scan3A_40 : i32
    %scan3A_42 = arith.constant 1 : i32
    scf.for %scan3A_77 = %scan3A_39 to %scan3A_41 step %scan3A_42  : i32 {
      %mul3A_78 = arith.constant 16 : i32
      %mul3A_79 = arith.muli %scan3A_77, %mul3A_78 : i32
      %add3A_80 = arith.addi %mul3A_23, %mul3A_79 : i32
      %get3A = arith.index_cast %add3A_80 : i32 to index
      %get3A_81 = tpu.vector_load %arg7[%get3A] {strides = array<i32>} : memref<832xi32, #tpu.memory_space<vmem>>, vector<16xi32>,
      %get3A_82 = arith.index_cast %add3A_80 : i32 to index
      %get3A_83 = tpu.vector_load %arg8[%get3A_82] {strides = array<i32>} : memref<832xi32, #tpu.memory_space<vmem>>, vector<16xi32>,
      %sub3A_84 = arith.subi %gather3A, %get3A_81 : vector<16xi32>
      %mul3A_85 = arith.constant 64 : i32
      %mul3A_86 = vector.broadcast %mul3A_85 : i32 to vector<16xi32>
      %mul3A_87 = arith.muli %sub3A_84, %mul3A_86 : vector<16xi32>
      %add3A_88 = arith.constant 12800 : i32
      %add3A_89 = vector.broadcast %add3A_88 : i32 to vector<16xi32>
      %add3A_90 = arith.addi %mul3A_87, %add3A_89 : vector<16xi32>
      %sub3A_91 = arith.subi %gather3A, %get3A_83 : vector<16xi32>
      %mul3A_92 = arith.constant 64 : i32
      %mul3A_93 = vector.broadcast %mul3A_92 : i32 to vector<16xi32>
      %mul3A_94 = arith.muli %sub3A_91, %mul3A_93 : vector<16xi32>
      %add3A_95 = arith.constant 38464 : i32
      %add3A_96 = vector.broadcast %add3A_95 : i32 to vector<16xi32>
      %add3A_97 = arith.addi %mul3A_94, %add3A_96 : vector<16xi32>
      %sub3A_98 = arith.subi %gather3A_25, %get3A_81 : vector<16xi32>
      %mul3A_99 = arith.constant 64 : i32
      %mul3A_100 = vector.broadcast %mul3A_99 : i32 to vector<16xi32>
      %mul3A_101 = arith.muli %sub3A_98, %mul3A_100 : vector<16xi32>
      %add3A_102 = arith.constant 64128 : i32
      %add3A_103 = vector.broadcast %add3A_102 : i32 to vector<16xi32>
      %add3A_104 = arith.addi %mul3A_101, %add3A_103 : vector<16xi32>
      %sub3A_105 = arith.subi %gather3A_25, %get3A_83 : vector<16xi32>
      %mul3A_106 = arith.constant 64 : i32
      %mul3A_107 = vector.broadcast %mul3A_106 : i32 to vector<16xi32>
      %mul3A_108 = arith.muli %sub3A_105, %mul3A_107 : vector<16xi32>
      %add3A_109 = arith.constant 89792 : i32
      %add3A_110 = vector.broadcast %add3A_109 : i32 to vector<16xi32>
      %add3A_111 = arith.addi %mul3A_108, %add3A_110 : vector<16xi32>
      %mul3A_112 = arith.constant 16 : i32
      %mul3A_113 = arith.muli %scan3A_77, %mul3A_112 : i32
      %add3A_114 = vector.broadcast %mul3A_113 : i32 to vector<16xi32>
      %add3A_115 = arith.addi %add3A_114, %iota3A : vector<16xi32>
      %sub3A_116 = arith.constant 96 : i32
      %sub3A_117 = vector.broadcast %sub3A_116 : i32 to vector<16xi32>
      %sub3A_118 = arith.subi %add3A_115, %sub3A_117 : vector<16xi32>
      %lt3A = arith.constant 104 : i32
      %lt3A_119 = vector.broadcast %lt3A : i32 to vector<16xi32>
      %lt3A_120 = arith.cmpi slt, %sub3A_118, %lt3A_119 : vector<16xi32>
      %parallel_loop3A = arith.constant 0 : i32
      %parallel_loop3A_121 = arith.constant 64 : i32
      %parallel_loop3A_122 = arith.constant 1 : i32
      scf.for %parallel_loop3A_123 = %parallel_loop3A to %parallel_loop3A_121 step %parallel_loop3A_122  : i32 {
        %parallel_loop3A_124 = vector.broadcast %parallel_loop3A_123 : i32 to vector<16xi32>
        %parallel_loop3A_125 = arith.addi %iota3A, %parallel_loop3A_124 : vector<16xi32>
        %parallel_loop3A_126 = arith.constant 63 : i32
        %parallel_loop3A_127 = vector.broadcast %parallel_loop3A_126 : i32 to vector<16xi32>
        %parallel_loop3A_128 = arith.andi %parallel_loop3A_125, %parallel_loop3A_127 : vector<16xi32>
        %parallel_loop3A_129 = arith.addi %add3A_90, %parallel_loop3A_128 : vector<16xi32>
        %parallel_loop3A_130 = tpu.vector_load_idx %arg6[%parallel_loop3A_129] : memref<102656xf32, #tpu.memory_space<vmem>>[vector<16xi32>], vector<16xf32>,
        %parallel_loop3A_131 = arith.addi %add3A_97, %parallel_loop3A_128 : vector<16xi32>
        %parallel_loop3A_132 = tpu.vector_load_idx %arg6[%parallel_loop3A_131] : memref<102656xf32, #tpu.memory_space<vmem>>[vector<16xi32>], vector<16xf32>,
        %parallel_loop3A_133 = arith.addi %add3A_104, %parallel_loop3A_128 : vector<16xi32>
        %parallel_loop3A_134 = tpu.vector_load_idx %arg6[%parallel_loop3A_133] : memref<102656xf32, #tpu.memory_space<vmem>>[vector<16xi32>], vector<16xf32>,
        %parallel_loop3A_135 = arith.addi %add3A_111, %parallel_loop3A_128 : vector<16xi32>
        %parallel_loop3A_136 = tpu.vector_load_idx %arg6[%parallel_loop3A_135] : memref<102656xf32, #tpu.memory_space<vmem>>[vector<16xi32>], vector<16xf32>,
        %parallel_loop3A_137 = arith.addf %parallel_loop3A_130, %parallel_loop3A_132 : vector<16xf32>
        %parallel_loop3A_138 = arith.addf %parallel_loop3A_134, %parallel_loop3A_136 : vector<16xf32>
        %parallel_loop3A_139 = arith.addf %parallel_loop3A_137, %parallel_loop3A_138 : vector<16xf32>
        %parallel_loop3A_140 = arith.constant 0.000000e+00 : f32
        %parallel_loop3A_141 = vector.broadcast %parallel_loop3A_140 : f32 to vector<16xf32>
        %parallel_loop3A_142 = arith.maximumf %parallel_loop3A_139, %parallel_loop3A_141 : vector<16xf32>
        tpu.vector_store_idx %arg10[%sub3A_118, %parallel_loop3A_128], %parallel_loop3A_142 masked %lt3A_120 : memref<104x64xf32, #tpu.memory_space<vmem>>[vector<16xi32>, vector<16xi32>], vector<16xf32>, vector<16xi1>
      } {sc.loop_unroll_factor = 8 : i64, sc.parallel_access}
    }
    %scan3A_43 = arith.constant 7 : i32
    %dma_start3A_44 = arith.constant 96 : i32
    %dma_start3A_45 = arith.constant 0 : i32
    %dma_start3A_46 = tpu.memref_slice %arg5[%select_n3A, %sub3A_21, %dma_start3A_44, %dma_start3A_45] : memref<4x200x200x64xf32, #tpu.memory_space<hbm>> -> memref<1x1x104x64xf32, #tpu.memory_space<hbm>>
    %dma_start3A_47 = tpu.memref_squeeze %dma_start3A_46 : memref<1x1x104x64xf32, #tpu.memory_space<hbm>> -> memref<104x64xf32, #tpu.memory_space<hbm>>
    %dma_start3A_48 = arith.constant 96 : i32
    %dma_start3A_49 = arith.constant 0 : i32
    %dma_start3A_50 = tpu.memref_slice %arg5[%select_n3A, %sub3A_21, %dma_start3A_48, %dma_start3A_49] : memref<4x200x200x64xf32, #tpu.memory_space<hbm>> -> memref<1x1x104x64xf32, #tpu.memory_space<hbm>>
    %dma_start3A_51 = tpu.memref_squeeze %dma_start3A_50 : memref<1x1x104x64xf32, #tpu.memory_space<hbm>> -> memref<104x64xf32, #tpu.memory_space<hbm>>
    tpu.enqueue_dma source(%arg10 : memref<104x64xf32, #tpu.memory_space<vmem>>) target(%dma_start3A_51 : memref<104x64xf32, #tpu.memory_space<hbm>>) target_semaphore(%arg12 : memref<!tpu.dma_semaphore, #tpu.memory_space<semaphore_mem>>)
    %scan3A_52 = arith.constant 0 : i32
    %scan3A_53 = arith.constant 1 : i32
    %scan3A_54 = arith.constant 24 : i32
    %scan3A_55 = arith.addi %scan3A_53, %scan3A_54 : i32
    %scan3A_56 = arith.constant 1 : i32
    scf.for %scan3A_77 = %scan3A_53 to %scan3A_55 step %scan3A_56  : i32 {
      %add3A_78 = arith.addi %mul3A_2, %scan3A_77 : i32
      %jit3A_79 = arith.constant 200 : i32
      %div3A_80 = arith.divsi %add3A_78, %jit3A_79 : i32
      %sign3A_81 = arith.constant 0 : i32
      %sign3A_82 = arith.cmpi sgt, %add3A_78, %sign3A_81 : i32
      %sign3A_83 = arith.extui %sign3A_82 : i1 to i32
      %sign3A_84 = arith.constant 0 : i32
      %sign3A_85 = arith.cmpi slt, %add3A_78, %sign3A_84 : i32
      %sign3A_86 = arith.extui %sign3A_85 : i1 to i32
      %sign3A_87 = arith.subi %sign3A_83, %sign3A_86 : i32
      %sign3A_88 = arith.constant 0 : i32
      %sign3A_89 = arith.cmpi sgt, %jit3A_79, %sign3A_88 : i32
      %sign3A_90 = arith.extui %sign3A_89 : i1 to i32
      %sign3A_91 = arith.constant 0 : i32
      %sign3A_92 = arith.cmpi slt, %jit3A_79, %sign3A_91 : i32
      %sign3A_93 = arith.extui %sign3A_92 : i1 to i32
      %sign3A_94 = arith.subi %sign3A_90, %sign3A_93 : i32
      %ne3A_95 = arith.cmpi ne, %sign3A_87, %sign3A_94 : i32
      %rem3A_96 = arith.remsi %add3A_78, %jit3A_79 : i32
      %ne3A_97 = arith.constant 0 : i32
      %ne3A_98 = arith.cmpi ne, %rem3A_96, %ne3A_97 : i32
      %and3A_99 = arith.andi %ne3A_95, %ne3A_98 : i1
      %sub3A_100 = arith.constant 1 : i32
      %sub3A_101 = arith.subi %div3A_80, %sub3A_100 : i32
      %select_n3A_102 = arith.select %and3A_99, %sub3A_101, %div3A_80 : i32
      %mul3A_103 = arith.constant 200 : i32
      %mul3A_104 = arith.muli %select_n3A_102, %mul3A_103 : i32
      %sub3A_105 = arith.subi %add3A_78, %mul3A_104 : i32
      %mul3A_106 = arith.constant 208 : i32
      %mul3A_107 = arith.muli %select_n3A_102, %mul3A_106 : i32
      %add3A_108 = arith.addi %mul3A_107, %sub3A_105 : i32
      %broadcast_in_dim3A_109 = vector.broadcast %add3A_108 : i32 to vector<16xi32>
      %gather3A_110 = tpu.vector_load_idx %arg7[%broadcast_in_dim3A_109] : memref<832xi32, #tpu.memory_space<vmem>>[vector<16xi32>], vector<16xi32>,
      %gather3A_111 = tpu.vector_load_idx %arg8[%broadcast_in_dim3A_109] : memref<832xi32, #tpu.memory_space<vmem>>[vector<16xi32>], vector<16xi32>,
      %dma_wait3A_112 = arith.constant 0 : i32
      %dma_wait3A_113 = arith.constant 0 : i32
      %dma_wait3A_114 = tpu.memref_slice %arg5[%select_n3A_102, %sub3A_105, %dma_wait3A_112, %dma_wait3A_113] : memref<4x200x200x64xf32, #tpu.memory_space<hbm>> -> memref<1x1x96x64xf32, #tpu.memory_space<hbm>>
      %dma_wait3A_115 = tpu.memref_squeeze %dma_wait3A_114 : memref<1x1x96x64xf32, #tpu.memory_space<hbm>> -> memref<96x64xf32, #tpu.memory_space<hbm>>
      %dma_wait3A_116 = arith.constant 0 : i32
      %dma_wait3A_117 = arith.constant 0 : i32
      %dma_wait3A_118 = tpu.memref_slice %arg5[%select_n3A_102, %sub3A_105, %dma_wait3A_116, %dma_wait3A_117] : memref<4x200x200x64xf32, #tpu.memory_space<hbm>> -> memref<1x1x96x64xf32, #tpu.memory_space<hbm>>
      %dma_wait3A_119 = tpu.memref_squeeze %dma_wait3A_118 : memref<1x1x96x64xf32, #tpu.memory_space<hbm>> -> memref<96x64xf32, #tpu.memory_space<hbm>>
      tpu.wait_dma2 semaphore(%arg11 : memref<!tpu.dma_semaphore, #tpu.memory_space<semaphore_mem>>) src(%arg9 : memref<96x64xf32, #tpu.memory_space<vmem>>) dst(%dma_wait3A_119 : memref<96x64xf32, #tpu.memory_space<hbm>>)
      %scan3A_120 = arith.constant 0 : i32
      %scan3A_121 = arith.constant 0 : i32
      %scan3A_122 = arith.constant 6 : i32
      %scan3A_123 = arith.addi %scan3A_121, %scan3A_122 : i32
      %scan3A_124 = arith.constant 1 : i32
      scf.for %scan3A_156 = %scan3A_121 to %scan3A_123 step %scan3A_124  : i32 {
        %mul3A_157 = arith.constant 16 : i32
        %mul3A_158 = arith.muli %scan3A_156, %mul3A_157 : i32
        %add3A_159 = arith.addi %mul3A_107, %mul3A_158 : i32
        %get3A = arith.index_cast %add3A_159 : i32 to index
        %get3A_160 = tpu.vector_load %arg7[%get3A] {strides = array<i32>} : memref<832xi32, #tpu.memory_space<vmem>>, vector<16xi32>,
        %get3A_161 = arith.index_cast %add3A_159 : i32 to index
        %get3A_162 = tpu.vector_load %arg8[%get3A_161] {strides = array<i32>} : memref<832xi32, #tpu.memory_space<vmem>>, vector<16xi32>,
        %sub3A_163 = arith.subi %gather3A_110, %get3A_160 : vector<16xi32>
        %mul3A_164 = arith.constant 64 : i32
        %mul3A_165 = vector.broadcast %mul3A_164 : i32 to vector<16xi32>
        %mul3A_166 = arith.muli %sub3A_163, %mul3A_165 : vector<16xi32>
        %add3A_167 = arith.constant 12800 : i32
        %add3A_168 = vector.broadcast %add3A_167 : i32 to vector<16xi32>
        %add3A_169 = arith.addi %mul3A_166, %add3A_168 : vector<16xi32>
        %sub3A_170 = arith.subi %gather3A_110, %get3A_162 : vector<16xi32>
        %mul3A_171 = arith.constant 64 : i32
        %mul3A_172 = vector.broadcast %mul3A_171 : i32 to vector<16xi32>
        %mul3A_173 = arith.muli %sub3A_170, %mul3A_172 : vector<16xi32>
        %add3A_174 = arith.constant 38464 : i32
        %add3A_175 = vector.broadcast %add3A_174 : i32 to vector<16xi32>
        %add3A_176 = arith.addi %mul3A_173, %add3A_175 : vector<16xi32>
        %sub3A_177 = arith.subi %gather3A_111, %get3A_160 : vector<16xi32>
        %mul3A_178 = arith.constant 64 : i32
        %mul3A_179 = vector.broadcast %mul3A_178 : i32 to vector<16xi32>
        %mul3A_180 = arith.muli %sub3A_177, %mul3A_179 : vector<16xi32>
        %add3A_181 = arith.constant 64128 : i32
        %add3A_182 = vector.broadcast %add3A_181 : i32 to vector<16xi32>
        %add3A_183 = arith.addi %mul3A_180, %add3A_182 : vector<16xi32>
        %sub3A_184 = arith.subi %gather3A_111, %get3A_162 : vector<16xi32>
        %mul3A_185 = arith.constant 64 : i32
        %mul3A_186 = vector.broadcast %mul3A_185 : i32 to vector<16xi32>
        %mul3A_187 = arith.muli %sub3A_184, %mul3A_186 : vector<16xi32>
        %add3A_188 = arith.constant 89792 : i32
        %add3A_189 = vector.broadcast %add3A_188 : i32 to vector<16xi32>
        %add3A_190 = arith.addi %mul3A_187, %add3A_189 : vector<16xi32>
        %mul3A_191 = arith.constant 16 : i32
        %mul3A_192 = arith.muli %scan3A_156, %mul3A_191 : i32
        %add3A_193 = vector.broadcast %mul3A_192 : i32 to vector<16xi32>
        %add3A_194 = arith.addi %add3A_193, %iota3A : vector<16xi32>
        %sub3A_195 = arith.constant 0 : i32
        %sub3A_196 = vector.broadcast %sub3A_195 : i32 to vector<16xi32>
        %sub3A_197 = arith.subi %add3A_194, %sub3A_196 : vector<16xi32>
        %lt3A = arith.constant 96 : i32
        %lt3A_198 = vector.broadcast %lt3A : i32 to vector<16xi32>
        %lt3A_199 = arith.cmpi slt, %sub3A_197, %lt3A_198 : vector<16xi32>
        %parallel_loop3A = arith.constant 0 : i32
        %parallel_loop3A_200 = arith.constant 64 : i32
        %parallel_loop3A_201 = arith.constant 1 : i32
        scf.for %parallel_loop3A_202 = %parallel_loop3A to %parallel_loop3A_200 step %parallel_loop3A_201  : i32 {
          %parallel_loop3A_203 = vector.broadcast %parallel_loop3A_202 : i32 to vector<16xi32>
          %parallel_loop3A_204 = arith.addi %iota3A, %parallel_loop3A_203 : vector<16xi32>
          %parallel_loop3A_205 = arith.constant 63 : i32
          %parallel_loop3A_206 = vector.broadcast %parallel_loop3A_205 : i32 to vector<16xi32>
          %parallel_loop3A_207 = arith.andi %parallel_loop3A_204, %parallel_loop3A_206 : vector<16xi32>
          %parallel_loop3A_208 = arith.addi %add3A_169, %parallel_loop3A_207 : vector<16xi32>
          %parallel_loop3A_209 = tpu.vector_load_idx %arg6[%parallel_loop3A_208] : memref<102656xf32, #tpu.memory_space<vmem>>[vector<16xi32>], vector<16xf32>,
          %parallel_loop3A_210 = arith.addi %add3A_176, %parallel_loop3A_207 : vector<16xi32>
          %parallel_loop3A_211 = tpu.vector_load_idx %arg6[%parallel_loop3A_210] : memref<102656xf32, #tpu.memory_space<vmem>>[vector<16xi32>], vector<16xf32>,
          %parallel_loop3A_212 = arith.addi %add3A_183, %parallel_loop3A_207 : vector<16xi32>
          %parallel_loop3A_213 = tpu.vector_load_idx %arg6[%parallel_loop3A_212] : memref<102656xf32, #tpu.memory_space<vmem>>[vector<16xi32>], vector<16xf32>,
          %parallel_loop3A_214 = arith.addi %add3A_190, %parallel_loop3A_207 : vector<16xi32>
          %parallel_loop3A_215 = tpu.vector_load_idx %arg6[%parallel_loop3A_214] : memref<102656xf32, #tpu.memory_space<vmem>>[vector<16xi32>], vector<16xf32>,
          %parallel_loop3A_216 = arith.addf %parallel_loop3A_209, %parallel_loop3A_211 : vector<16xf32>
          %parallel_loop3A_217 = arith.addf %parallel_loop3A_213, %parallel_loop3A_215 : vector<16xf32>
          %parallel_loop3A_218 = arith.addf %parallel_loop3A_216, %parallel_loop3A_217 : vector<16xf32>
          %parallel_loop3A_219 = arith.constant 0.000000e+00 : f32
          %parallel_loop3A_220 = vector.broadcast %parallel_loop3A_219 : f32 to vector<16xf32>
          %parallel_loop3A_221 = arith.maximumf %parallel_loop3A_218, %parallel_loop3A_220 : vector<16xf32>
          tpu.vector_store_idx %arg9[%sub3A_197, %parallel_loop3A_207], %parallel_loop3A_221 masked %lt3A_199 : memref<96x64xf32, #tpu.memory_space<vmem>>[vector<16xi32>, vector<16xi32>], vector<16xf32>, vector<16xi1>
        } {sc.loop_unroll_factor = 8 : i64, sc.parallel_access}
      }
      %scan3A_125 = arith.constant 6 : i32
      %dma_start3A_126 = arith.constant 0 : i32
      %dma_start3A_127 = arith.constant 0 : i32
      %dma_start3A_128 = tpu.memref_slice %arg5[%select_n3A_102, %sub3A_105, %dma_start3A_126, %dma_start3A_127] : memref<4x200x200x64xf32, #tpu.memory_space<hbm>> -> memref<1x1x96x64xf32, #tpu.memory_space<hbm>>
      %dma_start3A_129 = tpu.memref_squeeze %dma_start3A_128 : memref<1x1x96x64xf32, #tpu.memory_space<hbm>> -> memref<96x64xf32, #tpu.memory_space<hbm>>
      %dma_start3A_130 = arith.constant 0 : i32
      %dma_start3A_131 = arith.constant 0 : i32
      %dma_start3A_132 = tpu.memref_slice %arg5[%select_n3A_102, %sub3A_105, %dma_start3A_130, %dma_start3A_131] : memref<4x200x200x64xf32, #tpu.memory_space<hbm>> -> memref<1x1x96x64xf32, #tpu.memory_space<hbm>>
      %dma_start3A_133 = tpu.memref_squeeze %dma_start3A_132 : memref<1x1x96x64xf32, #tpu.memory_space<hbm>> -> memref<96x64xf32, #tpu.memory_space<hbm>>
      tpu.enqueue_dma source(%arg9 : memref<96x64xf32, #tpu.memory_space<vmem>>) target(%dma_start3A_133 : memref<96x64xf32, #tpu.memory_space<hbm>>) target_semaphore(%arg11 : memref<!tpu.dma_semaphore, #tpu.memory_space<semaphore_mem>>)
      %dma_wait3A_134 = arith.constant 96 : i32
      %dma_wait3A_135 = arith.constant 0 : i32
      %dma_wait3A_136 = tpu.memref_slice %arg5[%select_n3A_102, %sub3A_105, %dma_wait3A_134, %dma_wait3A_135] : memref<4x200x200x64xf32, #tpu.memory_space<hbm>> -> memref<1x1x104x64xf32, #tpu.memory_space<hbm>>
      %dma_wait3A_137 = tpu.memref_squeeze %dma_wait3A_136 : memref<1x1x104x64xf32, #tpu.memory_space<hbm>> -> memref<104x64xf32, #tpu.memory_space<hbm>>
      %dma_wait3A_138 = arith.constant 96 : i32
      %dma_wait3A_139 = arith.constant 0 : i32
      %dma_wait3A_140 = tpu.memref_slice %arg5[%select_n3A_102, %sub3A_105, %dma_wait3A_138, %dma_wait3A_139] : memref<4x200x200x64xf32, #tpu.memory_space<hbm>> -> memref<1x1x104x64xf32, #tpu.memory_space<hbm>>
      %dma_wait3A_141 = tpu.memref_squeeze %dma_wait3A_140 : memref<1x1x104x64xf32, #tpu.memory_space<hbm>> -> memref<104x64xf32, #tpu.memory_space<hbm>>
      tpu.wait_dma2 semaphore(%arg12 : memref<!tpu.dma_semaphore, #tpu.memory_space<semaphore_mem>>) src(%arg10 : memref<104x64xf32, #tpu.memory_space<vmem>>) dst(%dma_wait3A_141 : memref<104x64xf32, #tpu.memory_space<hbm>>)
      %scan3A_142 = arith.constant 0 : i32
      %scan3A_143 = arith.constant 6 : i32
      %scan3A_144 = arith.constant 7 : i32
      %scan3A_145 = arith.addi %scan3A_143, %scan3A_144 : i32
      %scan3A_146 = arith.constant 1 : i32
      scf.for %scan3A_156 = %scan3A_143 to %scan3A_145 step %scan3A_146  : i32 {
        %mul3A_157 = arith.constant 16 : i32
        %mul3A_158 = arith.muli %scan3A_156, %mul3A_157 : i32
        %add3A_159 = arith.addi %mul3A_107, %mul3A_158 : i32
        %get3A = arith.index_cast %add3A_159 : i32 to index
        %get3A_160 = tpu.vector_load %arg7[%get3A] {strides = array<i32>} : memref<832xi32, #tpu.memory_space<vmem>>, vector<16xi32>,
        %get3A_161 = arith.index_cast %add3A_159 : i32 to index
        %get3A_162 = tpu.vector_load %arg8[%get3A_161] {strides = array<i32>} : memref<832xi32, #tpu.memory_space<vmem>>, vector<16xi32>,
        %sub3A_163 = arith.subi %gather3A_110, %get3A_160 : vector<16xi32>
        %mul3A_164 = arith.constant 64 : i32
        %mul3A_165 = vector.broadcast %mul3A_164 : i32 to vector<16xi32>
        %mul3A_166 = arith.muli %sub3A_163, %mul3A_165 : vector<16xi32>
        %add3A_167 = arith.constant 12800 : i32
        %add3A_168 = vector.broadcast %add3A_167 : i32 to vector<16xi32>
        %add3A_169 = arith.addi %mul3A_166, %add3A_168 : vector<16xi32>
        %sub3A_170 = arith.subi %gather3A_110, %get3A_162 : vector<16xi32>
        %mul3A_171 = arith.constant 64 : i32
        %mul3A_172 = vector.broadcast %mul3A_171 : i32 to vector<16xi32>
        %mul3A_173 = arith.muli %sub3A_170, %mul3A_172 : vector<16xi32>
        %add3A_174 = arith.constant 38464 : i32
        %add3A_175 = vector.broadcast %add3A_174 : i32 to vector<16xi32>
        %add3A_176 = arith.addi %mul3A_173, %add3A_175 : vector<16xi32>
        %sub3A_177 = arith.subi %gather3A_111, %get3A_160 : vector<16xi32>
        %mul3A_178 = arith.constant 64 : i32
        %mul3A_179 = vector.broadcast %mul3A_178 : i32 to vector<16xi32>
        %mul3A_180 = arith.muli %sub3A_177, %mul3A_179 : vector<16xi32>
        %add3A_181 = arith.constant 64128 : i32
        %add3A_182 = vector.broadcast %add3A_181 : i32 to vector<16xi32>
        %add3A_183 = arith.addi %mul3A_180, %add3A_182 : vector<16xi32>
        %sub3A_184 = arith.subi %gather3A_111, %get3A_162 : vector<16xi32>
        %mul3A_185 = arith.constant 64 : i32
        %mul3A_186 = vector.broadcast %mul3A_185 : i32 to vector<16xi32>
        %mul3A_187 = arith.muli %sub3A_184, %mul3A_186 : vector<16xi32>
        %add3A_188 = arith.constant 89792 : i32
        %add3A_189 = vector.broadcast %add3A_188 : i32 to vector<16xi32>
        %add3A_190 = arith.addi %mul3A_187, %add3A_189 : vector<16xi32>
        %mul3A_191 = arith.constant 16 : i32
        %mul3A_192 = arith.muli %scan3A_156, %mul3A_191 : i32
        %add3A_193 = vector.broadcast %mul3A_192 : i32 to vector<16xi32>
        %add3A_194 = arith.addi %add3A_193, %iota3A : vector<16xi32>
        %sub3A_195 = arith.constant 96 : i32
        %sub3A_196 = vector.broadcast %sub3A_195 : i32 to vector<16xi32>
        %sub3A_197 = arith.subi %add3A_194, %sub3A_196 : vector<16xi32>
        %lt3A = arith.constant 104 : i32
        %lt3A_198 = vector.broadcast %lt3A : i32 to vector<16xi32>
        %lt3A_199 = arith.cmpi slt, %sub3A_197, %lt3A_198 : vector<16xi32>
        %parallel_loop3A = arith.constant 0 : i32
        %parallel_loop3A_200 = arith.constant 64 : i32
        %parallel_loop3A_201 = arith.constant 1 : i32
        scf.for %parallel_loop3A_202 = %parallel_loop3A to %parallel_loop3A_200 step %parallel_loop3A_201  : i32 {
          %parallel_loop3A_203 = vector.broadcast %parallel_loop3A_202 : i32 to vector<16xi32>
          %parallel_loop3A_204 = arith.addi %iota3A, %parallel_loop3A_203 : vector<16xi32>
          %parallel_loop3A_205 = arith.constant 63 : i32
          %parallel_loop3A_206 = vector.broadcast %parallel_loop3A_205 : i32 to vector<16xi32>
          %parallel_loop3A_207 = arith.andi %parallel_loop3A_204, %parallel_loop3A_206 : vector<16xi32>
          %parallel_loop3A_208 = arith.addi %add3A_169, %parallel_loop3A_207 : vector<16xi32>
          %parallel_loop3A_209 = tpu.vector_load_idx %arg6[%parallel_loop3A_208] : memref<102656xf32, #tpu.memory_space<vmem>>[vector<16xi32>], vector<16xf32>,
          %parallel_loop3A_210 = arith.addi %add3A_176, %parallel_loop3A_207 : vector<16xi32>
          %parallel_loop3A_211 = tpu.vector_load_idx %arg6[%parallel_loop3A_210] : memref<102656xf32, #tpu.memory_space<vmem>>[vector<16xi32>], vector<16xf32>,
          %parallel_loop3A_212 = arith.addi %add3A_183, %parallel_loop3A_207 : vector<16xi32>
          %parallel_loop3A_213 = tpu.vector_load_idx %arg6[%parallel_loop3A_212] : memref<102656xf32, #tpu.memory_space<vmem>>[vector<16xi32>], vector<16xf32>,
          %parallel_loop3A_214 = arith.addi %add3A_190, %parallel_loop3A_207 : vector<16xi32>
          %parallel_loop3A_215 = tpu.vector_load_idx %arg6[%parallel_loop3A_214] : memref<102656xf32, #tpu.memory_space<vmem>>[vector<16xi32>], vector<16xf32>,
          %parallel_loop3A_216 = arith.addf %parallel_loop3A_209, %parallel_loop3A_211 : vector<16xf32>
          %parallel_loop3A_217 = arith.addf %parallel_loop3A_213, %parallel_loop3A_215 : vector<16xf32>
          %parallel_loop3A_218 = arith.addf %parallel_loop3A_216, %parallel_loop3A_217 : vector<16xf32>
          %parallel_loop3A_219 = arith.constant 0.000000e+00 : f32
          %parallel_loop3A_220 = vector.broadcast %parallel_loop3A_219 : f32 to vector<16xf32>
          %parallel_loop3A_221 = arith.maximumf %parallel_loop3A_218, %parallel_loop3A_220 : vector<16xf32>
          tpu.vector_store_idx %arg10[%sub3A_197, %parallel_loop3A_207], %parallel_loop3A_221 masked %lt3A_199 : memref<104x64xf32, #tpu.memory_space<vmem>>[vector<16xi32>, vector<16xi32>], vector<16xf32>, vector<16xi1>
        } {sc.loop_unroll_factor = 8 : i64, sc.parallel_access}
      }
      %scan3A_147 = arith.constant 7 : i32
      %dma_start3A_148 = arith.constant 96 : i32
      %dma_start3A_149 = arith.constant 0 : i32
      %dma_start3A_150 = tpu.memref_slice %arg5[%select_n3A_102, %sub3A_105, %dma_start3A_148, %dma_start3A_149] : memref<4x200x200x64xf32, #tpu.memory_space<hbm>> -> memref<1x1x104x64xf32, #tpu.memory_space<hbm>>
      %dma_start3A_151 = tpu.memref_squeeze %dma_start3A_150 : memref<1x1x104x64xf32, #tpu.memory_space<hbm>> -> memref<104x64xf32, #tpu.memory_space<hbm>>
      %dma_start3A_152 = arith.constant 96 : i32
      %dma_start3A_153 = arith.constant 0 : i32
      %dma_start3A_154 = tpu.memref_slice %arg5[%select_n3A_102, %sub3A_105, %dma_start3A_152, %dma_start3A_153] : memref<4x200x200x64xf32, #tpu.memory_space<hbm>> -> memref<1x1x104x64xf32, #tpu.memory_space<hbm>>
      %dma_start3A_155 = tpu.memref_squeeze %dma_start3A_154 : memref<1x1x104x64xf32, #tpu.memory_space<hbm>> -> memref<104x64xf32, #tpu.memory_space<hbm>>
      tpu.enqueue_dma source(%arg10 : memref<104x64xf32, #tpu.memory_space<vmem>>) target(%dma_start3A_155 : memref<104x64xf32, #tpu.memory_space<hbm>>) target_semaphore(%arg12 : memref<!tpu.dma_semaphore, #tpu.memory_space<semaphore_mem>>)
    }
    %scan3A_57 = arith.constant 24 : i32
    %dma_wait3A = arith.constant 0 : i32
    %dma_wait3A_58 = arith.constant 0 : i32
    %dma_wait3A_59 = arith.constant 0 : i32
    %dma_wait3A_60 = arith.constant 0 : i32
    %dma_wait3A_61 = tpu.memref_slice %arg5[%dma_wait3A, %dma_wait3A_58, %dma_wait3A_59, %dma_wait3A_60] : memref<4x200x200x64xf32, #tpu.memory_space<hbm>> -> memref<1x1x96x64xf32, #tpu.memory_space<hbm>>
    %dma_wait3A_62 = tpu.memref_squeeze %dma_wait3A_61 : memref<1x1x96x64xf32, #tpu.memory_space<hbm>> -> memref<96x64xf32, #tpu.memory_space<hbm>>
    %dma_wait3A_63 = arith.constant 0 : i32
    %dma_wait3A_64 = arith.constant 0 : i32
    %dma_wait3A_65 = tpu.memref_slice %arg5[%dma_wait3A, %dma_wait3A_58, %dma_wait3A_63, %dma_wait3A_64] : memref<4x200x200x64xf32, #tpu.memory_space<hbm>> -> memref<1x1x96x64xf32, #tpu.memory_space<hbm>>
    %dma_wait3A_66 = tpu.memref_squeeze %dma_wait3A_65 : memref<1x1x96x64xf32, #tpu.memory_space<hbm>> -> memref<96x64xf32, #tpu.memory_space<hbm>>
    tpu.wait_dma2 semaphore(%arg11 : memref<!tpu.dma_semaphore, #tpu.memory_space<semaphore_mem>>) src(%arg9 : memref<96x64xf32, #tpu.memory_space<vmem>>) dst(%dma_wait3A_66 : memref<96x64xf32, #tpu.memory_space<hbm>>)
    %dma_wait3A_67 = arith.constant 0 : i32
    %dma_wait3A_68 = arith.constant 0 : i32
    %dma_wait3A_69 = arith.constant 96 : i32
    %dma_wait3A_70 = arith.constant 0 : i32
    %dma_wait3A_71 = tpu.memref_slice %arg5[%dma_wait3A_67, %dma_wait3A_68, %dma_wait3A_69, %dma_wait3A_70] : memref<4x200x200x64xf32, #tpu.memory_space<hbm>> -> memref<1x1x104x64xf32, #tpu.memory_space<hbm>>
    %dma_wait3A_72 = tpu.memref_squeeze %dma_wait3A_71 : memref<1x1x104x64xf32, #tpu.memory_space<hbm>> -> memref<104x64xf32, #tpu.memory_space<hbm>>
    %dma_wait3A_73 = arith.constant 96 : i32
    %dma_wait3A_74 = arith.constant 0 : i32
    %dma_wait3A_75 = tpu.memref_slice %arg5[%dma_wait3A_67, %dma_wait3A_68, %dma_wait3A_73, %dma_wait3A_74] : memref<4x200x200x64xf32, #tpu.memory_space<hbm>> -> memref<1x1x104x64xf32, #tpu.memory_space<hbm>>
    %dma_wait3A_76 = tpu.memref_squeeze %dma_wait3A_75 : memref<1x1x104x64xf32, #tpu.memory_space<hbm>> -> memref<104x64xf32, #tpu.memory_space<hbm>>
    tpu.wait_dma2 semaphore(%arg12 : memref<!tpu.dma_semaphore, #tpu.memory_space<semaphore_mem>>) src(%arg10 : memref<104x64xf32, #tpu.memory_space<vmem>>) dst(%dma_wait3A_76 : memref<104x64xf32, #tpu.memory_space<hbm>>)
    return
  }
}

module attributes {stable_mosaic.version = 14 : i64} {
  func.func @body(%arg0: memref<401x64xf32, #tpu.memory_space<vmem>>, %arg1: memref<64x256xf32, #tpu.memory_space<vmem>>, %arg2: memref<1x64xf32, #tpu.memory_space<vmem>>, %arg3: memref<1604x64xf32, #tpu.memory_space<vmem>>) attributes {dimension_semantics = [], scalar_prefetch = 0 : i64, scratch_operands = 0 : i64, tpu.core_type = #tpu.core_type<tc>} {
    %get3A = arith.constant 0 : index
    %get3A_0 = arith.constant 0 : index
    %get3A_1 = vector.load %arg0[%get3A, %get3A_0] : memref<401x64xf32, #tpu.memory_space<vmem>>, vector<401x64xf32>
    %get3A_2 = arith.constant 0 : index
    %get3A_3 = arith.constant 0 : index
    %get3A_4 = vector.load %arg1[%get3A_2, %get3A_3] : memref<64x256xf32, #tpu.memory_space<vmem>>, vector<64x256xf32>
    %slice3A = vector.extract_strided_slice %get3A_4 {offsets = [0, 0], sizes = [64, 64], strides = [1, 1]} : vector<64x256xf32> to vector<64x64xf32>
    %dot_general3A = arith.constant dense<0.000000e+00> : vector<401x64xf32>
    %dot_general3A_5 = tpu.matmul %get3A_1, %slice3A, %dot_general3A {dimension_numbers = #tpu.dot_dimension_numbers<[1], [1], [0], [0], [0, 0, 1, 0], [], []>, transpose_lhs_hint = false} : vector<401x64xf32>, vector<64x64xf32>, vector<401x64xf32> -> vector<401x64xf32>
    %get3A_6 = arith.constant 0 : index
    %get3A_7 = arith.constant 0 : index
    %get3A_8 = vector.load %arg2[%get3A_6, %get3A_7] : memref<1x64xf32, #tpu.memory_space<vmem>>, vector<1x64xf32>
    %add3A = vector.broadcast %get3A_8 : vector<1x64xf32> to vector<401x64xf32>
    %add3A_9 = arith.addf %dot_general3A_5, %add3A : vector<401x64xf32>
    %swap3A = arith.constant 0 : index
    %swap3A_10 = arith.constant 0 : index
    %swap3A_11 = vector.load %arg3[%swap3A, %swap3A_10] : memref<1604x64xf32, #tpu.memory_space<vmem>>, vector<401x64xf32>
    tpu.vector_store %arg3[%swap3A, %swap3A_10], %add3A_9 {strides = array<i32>} : memref<1604x64xf32, #tpu.memory_space<vmem>>, vector<401x64xf32>,
    %slice3A_12 = vector.extract_strided_slice %get3A_4 {offsets = [0, 64], sizes = [64, 64], strides = [1, 1]} : vector<64x256xf32> to vector<64x64xf32>
    %dot_general3A_13 = arith.constant dense<0.000000e+00> : vector<401x64xf32>
    %dot_general3A_14 = tpu.matmul %get3A_1, %slice3A_12, %dot_general3A_13 {dimension_numbers = #tpu.dot_dimension_numbers<[1], [1], [0], [0], [0, 0, 1, 0], [], []>, transpose_lhs_hint = false} : vector<401x64xf32>, vector<64x64xf32>, vector<401x64xf32> -> vector<401x64xf32>
    %swap3A_15 = arith.constant 401 : index
    %swap3A_16 = arith.constant 0 : index
    %swap3A_17 = vector.load %arg3[%swap3A_15, %swap3A_16] : memref<1604x64xf32, #tpu.memory_space<vmem>>, vector<401x64xf32>
    tpu.vector_store %arg3[%swap3A_15, %swap3A_16], %dot_general3A_14 {strides = array<i32>} : memref<1604x64xf32, #tpu.memory_space<vmem>>, vector<401x64xf32>,
    %slice3A_18 = vector.extract_strided_slice %get3A_4 {offsets = [0, 128], sizes = [64, 64], strides = [1, 1]} : vector<64x256xf32> to vector<64x64xf32>
    %dot_general3A_19 = arith.constant dense<0.000000e+00> : vector<401x64xf32>
    %dot_general3A_20 = tpu.matmul %get3A_1, %slice3A_18, %dot_general3A_19 {dimension_numbers = #tpu.dot_dimension_numbers<[1], [1], [0], [0], [0, 0, 1, 0], [], []>, transpose_lhs_hint = false} : vector<401x64xf32>, vector<64x64xf32>, vector<401x64xf32> -> vector<401x64xf32>
    %swap3A_21 = arith.constant 802 : index
    %swap3A_22 = arith.constant 0 : index
    %swap3A_23 = vector.load %arg3[%swap3A_21, %swap3A_22] : memref<1604x64xf32, #tpu.memory_space<vmem>>, vector<401x64xf32>
    tpu.vector_store %arg3[%swap3A_21, %swap3A_22], %dot_general3A_20 {strides = array<i32>} : memref<1604x64xf32, #tpu.memory_space<vmem>>, vector<401x64xf32>,
    %slice3A_24 = vector.extract_strided_slice %get3A_4 {offsets = [0, 192], sizes = [64, 64], strides = [1, 1]} : vector<64x256xf32> to vector<64x64xf32>
    %dot_general3A_25 = arith.constant dense<0.000000e+00> : vector<401x64xf32>
    %dot_general3A_26 = tpu.matmul %get3A_1, %slice3A_24, %dot_general3A_25 {dimension_numbers = #tpu.dot_dimension_numbers<[1], [1], [0], [0], [0, 0, 1, 0], [], []>, transpose_lhs_hint = false} : vector<401x64xf32>, vector<64x64xf32>, vector<401x64xf32> -> vector<401x64xf32>
    %swap3A_27 = arith.constant 1203 : index
    %swap3A_28 = arith.constant 0 : index
    %swap3A_29 = vector.load %arg3[%swap3A_27, %swap3A_28] : memref<1604x64xf32, #tpu.memory_space<vmem>>, vector<401x64xf32>
    tpu.vector_store %arg3[%swap3A_27, %swap3A_28], %dot_general3A_26 {strides = array<i32>} : memref<1604x64xf32, #tpu.memory_space<vmem>>, vector<401x64xf32>,
    return
  }
}

module attributes {stable_mosaic.version = 14 : i64} {
  func.func @body(%arg0: i32, %arg1: memref<800xi32, #tpu.memory_space<smem>>, %arg2: memref<8x64xf32, #tpu.memory_space<vmem>>, %arg3: memref<8x64xf32, #tpu.memory_space<vmem>>, %arg4: memref<8x64xf32, #tpu.memory_space<vmem>>, %arg5: memref<8x64xf32, #tpu.memory_space<vmem>>, %arg6: memref<8x64xf32, #tpu.memory_space<vmem>>, %arg7: memref<8x64xf32, #tpu.memory_space<vmem>>, %arg8: memref<8x64xf32, #tpu.memory_space<vmem>>, %arg9: memref<8x64xf32, #tpu.memory_space<vmem>>, %arg10: memref<64x64xf32, #tpu.memory_space<vmem>>, %arg11: memref<1x64xf32, #tpu.memory_space<vmem>>, %arg12: memref<1x64xf32, #tpu.memory_space<vmem>>, %arg13: memref<1x64xf32, #tpu.memory_space<vmem>>, %arg14: memref<8x64xf32, #tpu.memory_space<vmem>>) attributes {dimension_semantics = [#tpu.dimension_semantics<arbitrary>], iteration_bounds = array<i64: 100>, scalar_prefetch = 1 : i64, scratch_operands = 0 : i64, tpu.core_type = #tpu.core_type<tc>, window_params = [{transform_indices = @transform_0, window_bounds = array<i64: 8, 64>}, {transform_indices = @transform_1, window_bounds = array<i64: 8, 64>}, {transform_indices = @transform_2, window_bounds = array<i64: 8, 64>}, {transform_indices = @transform_3, window_bounds = array<i64: 8, 64>}, {transform_indices = @transform_4, window_bounds = array<i64: 8, 64>}, {transform_indices = @transform_5, window_bounds = array<i64: 8, 64>}, {transform_indices = @transform_6, window_bounds = array<i64: 8, 64>}, {transform_indices = @transform_7, window_bounds = array<i64: 8, 64>}, {pipeline_mode = #tpu.pipeline_mode<synchronous>, transform_indices = @transform_8, window_bounds = array<i64: 64, 64>}, {pipeline_mode = #tpu.pipeline_mode<synchronous>, transform_indices = @transform_9, window_bounds = array<i64: 1, 64>}, {pipeline_mode = #tpu.pipeline_mode<synchronous>, transform_indices = @transform_10, window_bounds = array<i64: 1, 64>}, {pipeline_mode = #tpu.pipeline_mode<synchronous>, transform_indices = @transform_11, window_bounds = array<i64: 1, 64>}, {transform_indices = @transform_12, window_bounds = array<i64: 8, 64>}]} {
    %iota3A = tpu.iota {dimensions = array<i32: 0>} : vector<8x64xi32>
    %get3A = arith.constant 0 : index
    %get3A_0 = arith.constant 0 : index
    %get3A_1 = vector.load %arg2[%get3A, %get3A_0] : memref<8x64xf32, #tpu.memory_space<vmem>>, vector<8x64xf32>
    %mul3A = arith.constant 8 : i32
    %mul3A_2 = arith.muli %arg0, %mul3A : i32
    %add3A = arith.constant 0 : i32
    %add3A_3 = arith.addi %mul3A_2, %add3A : i32
    %get3A_4 = arith.index_cast %add3A_3 : i32 to index
    %get3A_5 = memref.load %arg1[%get3A_4] : memref<800xi32, #tpu.memory_space<smem>>
    %jit3A = arith.constant 8 : i32
    %eq3A = arith.constant 0 : i32
    %eq3A_6 = arith.cmpi eq, %jit3A, %eq3A : i32
    %jit3A_7 = arith.constant 1 : i32
    %select_n3A = arith.select %eq3A_6, %jit3A_7, %jit3A : i32
    %rem3A = arith.remsi %get3A_5, %select_n3A : i32
    %ne3A = arith.constant 0 : i32
    %ne3A_8 = arith.cmpi ne, %rem3A, %ne3A : i32
    %lt3A = arith.constant 0 : i32
    %lt3A_9 = arith.cmpi slt, %rem3A, %lt3A : i32
    %lt3A_10 = arith.constant 0 : i32
    %lt3A_11 = arith.cmpi slt, %select_n3A, %lt3A_10 : i32
    %ne3A_12 = arith.xori %lt3A_9, %lt3A_11 : i1
    %and3A = arith.andi %ne3A_12, %ne3A_8 : i1
    %add3A_13 = arith.addi %rem3A, %select_n3A : i32
    %select_n3A_14 = arith.select %and3A, %add3A_13, %rem3A : i32
    %eq3A_15 = vector.broadcast %select_n3A_14 : i32 to vector<8x64xi32>
    %eq3A_16 = arith.cmpi eq, %iota3A, %eq3A_15 : vector<8x64xi32>
    %jit3A_17 = arith.constant 0.000000e+00 : f32
    %broadcast_in_dim3A = vector.broadcast %jit3A_17 : f32 to vector<8x64xf32>
    %select_n3A_18 = arith.select %eq3A_16, %get3A_1, %broadcast_in_dim3A : vector<8x64xi1>, vector<8x64xf32>
    %reduce_sum3A = arith.constant dense<0.000000e+00> : vector<64xf32>
    %reduce_sum3A_19 = vector.multi_reduction <add>, %select_n3A_18, %reduce_sum3A [0] : vector<8x64xf32> to vector<64xf32>
    %broadcast_in_dim3A_20 = vector.shape_cast %reduce_sum3A_19 : vector<64xf32> to vector<1x64xf32>
    %get3A_21 = arith.constant 0 : index
    %get3A_22 = arith.constant 0 : index
    %get3A_23 = vector.load %arg3[%get3A_21, %get3A_22] : memref<8x64xf32, #tpu.memory_space<vmem>>, vector<8x64xf32>
    %mul3A_24 = arith.constant 8 : i32
    %mul3A_25 = arith.muli %arg0, %mul3A_24 : i32
    %add3A_26 = arith.constant 1 : i32
    %add3A_27 = arith.addi %mul3A_25, %add3A_26 : i32
    %get3A_28 = arith.index_cast %add3A_27 : i32 to index
    %get3A_29 = memref.load %arg1[%get3A_28] : memref<800xi32, #tpu.memory_space<smem>>
    %jit3A_30 = arith.constant 8 : i32
    %eq3A_31 = arith.constant 0 : i32
    %eq3A_32 = arith.cmpi eq, %jit3A_30, %eq3A_31 : i32
    %jit3A_33 = arith.constant 1 : i32
    %select_n3A_34 = arith.select %eq3A_32, %jit3A_33, %jit3A_30 : i32
    %rem3A_35 = arith.remsi %get3A_29, %select_n3A_34 : i32
    %ne3A_36 = arith.constant 0 : i32
    %ne3A_37 = arith.cmpi ne, %rem3A_35, %ne3A_36 : i32
    %lt3A_38 = arith.constant 0 : i32
    %lt3A_39 = arith.cmpi slt, %rem3A_35, %lt3A_38 : i32
    %lt3A_40 = arith.constant 0 : i32
    %lt3A_41 = arith.cmpi slt, %select_n3A_34, %lt3A_40 : i32
    %ne3A_42 = arith.xori %lt3A_39, %lt3A_41 : i1
    %and3A_43 = arith.andi %ne3A_42, %ne3A_37 : i1
    %add3A_44 = arith.addi %rem3A_35, %select_n3A_34 : i32
    %select_n3A_45 = arith.select %and3A_43, %add3A_44, %rem3A_35 : i32
    %eq3A_46 = vector.broadcast %select_n3A_45 : i32 to vector<8x64xi32>
    %eq3A_47 = arith.cmpi eq, %iota3A, %eq3A_46 : vector<8x64xi32>
    %jit3A_48 = arith.constant 0.000000e+00 : f32
    %broadcast_in_dim3A_49 = vector.broadcast %jit3A_48 : f32 to vector<8x64xf32>
    %select_n3A_50 = arith.select %eq3A_47, %get3A_23, %broadcast_in_dim3A_49 : vector<8x64xi1>, vector<8x64xf32>
    %reduce_sum3A_51 = arith.constant dense<0.000000e+00> : vector<64xf32>
    %reduce_sum3A_52 = vector.multi_reduction <add>, %select_n3A_50, %reduce_sum3A_51 [0] : vector<8x64xf32> to vector<64xf32>
    %broadcast_in_dim3A_53 = vector.shape_cast %reduce_sum3A_52 : vector<64xf32> to vector<1x64xf32>
    %get3A_54 = arith.constant 0 : index
    %get3A_55 = arith.constant 0 : index
    %get3A_56 = vector.load %arg4[%get3A_54, %get3A_55] : memref<8x64xf32, #tpu.memory_space<vmem>>, vector<8x64xf32>
    %mul3A_57 = arith.constant 8 : i32
    %mul3A_58 = arith.muli %arg0, %mul3A_57 : i32
    %add3A_59 = arith.constant 2 : i32
    %add3A_60 = arith.addi %mul3A_58, %add3A_59 : i32
    %get3A_61 = arith.index_cast %add3A_60 : i32 to index
    %get3A_62 = memref.load %arg1[%get3A_61] : memref<800xi32, #tpu.memory_space<smem>>
    %jit3A_63 = arith.constant 8 : i32
    %eq3A_64 = arith.constant 0 : i32
    %eq3A_65 = arith.cmpi eq, %jit3A_63, %eq3A_64 : i32
    %jit3A_66 = arith.constant 1 : i32
    %select_n3A_67 = arith.select %eq3A_65, %jit3A_66, %jit3A_63 : i32
    %rem3A_68 = arith.remsi %get3A_62, %select_n3A_67 : i32
    %ne3A_69 = arith.constant 0 : i32
    %ne3A_70 = arith.cmpi ne, %rem3A_68, %ne3A_69 : i32
    %lt3A_71 = arith.constant 0 : i32
    %lt3A_72 = arith.cmpi slt, %rem3A_68, %lt3A_71 : i32
    %lt3A_73 = arith.constant 0 : i32
    %lt3A_74 = arith.cmpi slt, %select_n3A_67, %lt3A_73 : i32
    %ne3A_75 = arith.xori %lt3A_72, %lt3A_74 : i1
    %and3A_76 = arith.andi %ne3A_75, %ne3A_70 : i1
    %add3A_77 = arith.addi %rem3A_68, %select_n3A_67 : i32
    %select_n3A_78 = arith.select %and3A_76, %add3A_77, %rem3A_68 : i32
    %eq3A_79 = vector.broadcast %select_n3A_78 : i32 to vector<8x64xi32>
    %eq3A_80 = arith.cmpi eq, %iota3A, %eq3A_79 : vector<8x64xi32>
    %jit3A_81 = arith.constant 0.000000e+00 : f32
    %broadcast_in_dim3A_82 = vector.broadcast %jit3A_81 : f32 to vector<8x64xf32>
    %select_n3A_83 = arith.select %eq3A_80, %get3A_56, %broadcast_in_dim3A_82 : vector<8x64xi1>, vector<8x64xf32>
    %reduce_sum3A_84 = arith.constant dense<0.000000e+00> : vector<64xf32>
    %reduce_sum3A_85 = vector.multi_reduction <add>, %select_n3A_83, %reduce_sum3A_84 [0] : vector<8x64xf32> to vector<64xf32>
    %broadcast_in_dim3A_86 = vector.shape_cast %reduce_sum3A_85 : vector<64xf32> to vector<1x64xf32>
    %get3A_87 = arith.constant 0 : index
    %get3A_88 = arith.constant 0 : index
    %get3A_89 = vector.load %arg5[%get3A_87, %get3A_88] : memref<8x64xf32, #tpu.memory_space<vmem>>, vector<8x64xf32>
    %mul3A_90 = arith.constant 8 : i32
    %mul3A_91 = arith.muli %arg0, %mul3A_90 : i32
    %add3A_92 = arith.constant 3 : i32
    %add3A_93 = arith.addi %mul3A_91, %add3A_92 : i32
    %get3A_94 = arith.index_cast %add3A_93 : i32 to index
    %get3A_95 = memref.load %arg1[%get3A_94] : memref<800xi32, #tpu.memory_space<smem>>
    %jit3A_96 = arith.constant 8 : i32
    %eq3A_97 = arith.constant 0 : i32
    %eq3A_98 = arith.cmpi eq, %jit3A_96, %eq3A_97 : i32
    %jit3A_99 = arith.constant 1 : i32
    %select_n3A_100 = arith.select %eq3A_98, %jit3A_99, %jit3A_96 : i32
    %rem3A_101 = arith.remsi %get3A_95, %select_n3A_100 : i32
    %ne3A_102 = arith.constant 0 : i32
    %ne3A_103 = arith.cmpi ne, %rem3A_101, %ne3A_102 : i32
    %lt3A_104 = arith.constant 0 : i32
    %lt3A_105 = arith.cmpi slt, %rem3A_101, %lt3A_104 : i32
    %lt3A_106 = arith.constant 0 : i32
    %lt3A_107 = arith.cmpi slt, %select_n3A_100, %lt3A_106 : i32
    %ne3A_108 = arith.xori %lt3A_105, %lt3A_107 : i1
    %and3A_109 = arith.andi %ne3A_108, %ne3A_103 : i1
    %add3A_110 = arith.addi %rem3A_101, %select_n3A_100 : i32
    %select_n3A_111 = arith.select %and3A_109, %add3A_110, %rem3A_101 : i32
    %eq3A_112 = vector.broadcast %select_n3A_111 : i32 to vector<8x64xi32>
    %eq3A_113 = arith.cmpi eq, %iota3A, %eq3A_112 : vector<8x64xi32>
    %jit3A_114 = arith.constant 0.000000e+00 : f32
    %broadcast_in_dim3A_115 = vector.broadcast %jit3A_114 : f32 to vector<8x64xf32>
    %select_n3A_116 = arith.select %eq3A_113, %get3A_89, %broadcast_in_dim3A_115 : vector<8x64xi1>, vector<8x64xf32>
    %reduce_sum3A_117 = arith.constant dense<0.000000e+00> : vector<64xf32>
    %reduce_sum3A_118 = vector.multi_reduction <add>, %select_n3A_116, %reduce_sum3A_117 [0] : vector<8x64xf32> to vector<64xf32>
    %broadcast_in_dim3A_119 = vector.shape_cast %reduce_sum3A_118 : vector<64xf32> to vector<1x64xf32>
    %get3A_120 = arith.constant 0 : index
    %get3A_121 = arith.constant 0 : index
    %get3A_122 = vector.load %arg6[%get3A_120, %get3A_121] : memref<8x64xf32, #tpu.memory_space<vmem>>, vector<8x64xf32>
    %mul3A_123 = arith.constant 8 : i32
    %mul3A_124 = arith.muli %arg0, %mul3A_123 : i32
    %add3A_125 = arith.constant 4 : i32
    %add3A_126 = arith.addi %mul3A_124, %add3A_125 : i32
    %get3A_127 = arith.index_cast %add3A_126 : i32 to index
    %get3A_128 = memref.load %arg1[%get3A_127] : memref<800xi32, #tpu.memory_space<smem>>
    %jit3A_129 = arith.constant 8 : i32
    %eq3A_130 = arith.constant 0 : i32
    %eq3A_131 = arith.cmpi eq, %jit3A_129, %eq3A_130 : i32
    %jit3A_132 = arith.constant 1 : i32
    %select_n3A_133 = arith.select %eq3A_131, %jit3A_132, %jit3A_129 : i32
    %rem3A_134 = arith.remsi %get3A_128, %select_n3A_133 : i32
    %ne3A_135 = arith.constant 0 : i32
    %ne3A_136 = arith.cmpi ne, %rem3A_134, %ne3A_135 : i32
    %lt3A_137 = arith.constant 0 : i32
    %lt3A_138 = arith.cmpi slt, %rem3A_134, %lt3A_137 : i32
    %lt3A_139 = arith.constant 0 : i32
    %lt3A_140 = arith.cmpi slt, %select_n3A_133, %lt3A_139 : i32
    %ne3A_141 = arith.xori %lt3A_138, %lt3A_140 : i1
    %and3A_142 = arith.andi %ne3A_141, %ne3A_136 : i1
    %add3A_143 = arith.addi %rem3A_134, %select_n3A_133 : i32
    %select_n3A_144 = arith.select %and3A_142, %add3A_143, %rem3A_134 : i32
    %eq3A_145 = vector.broadcast %select_n3A_144 : i32 to vector<8x64xi32>
    %eq3A_146 = arith.cmpi eq, %iota3A, %eq3A_145 : vector<8x64xi32>
    %jit3A_147 = arith.constant 0.000000e+00 : f32
    %broadcast_in_dim3A_148 = vector.broadcast %jit3A_147 : f32 to vector<8x64xf32>
    %select_n3A_149 = arith.select %eq3A_146, %get3A_122, %broadcast_in_dim3A_148 : vector<8x64xi1>, vector<8x64xf32>
    %reduce_sum3A_150 = arith.constant dense<0.000000e+00> : vector<64xf32>
    %reduce_sum3A_151 = vector.multi_reduction <add>, %select_n3A_149, %reduce_sum3A_150 [0] : vector<8x64xf32> to vector<64xf32>
    %broadcast_in_dim3A_152 = vector.shape_cast %reduce_sum3A_151 : vector<64xf32> to vector<1x64xf32>
    %get3A_153 = arith.constant 0 : index
    %get3A_154 = arith.constant 0 : index
    %get3A_155 = vector.load %arg7[%get3A_153, %get3A_154] : memref<8x64xf32, #tpu.memory_space<vmem>>, vector<8x64xf32>
    %mul3A_156 = arith.constant 8 : i32
    %mul3A_157 = arith.muli %arg0, %mul3A_156 : i32
    %add3A_158 = arith.constant 5 : i32
    %add3A_159 = arith.addi %mul3A_157, %add3A_158 : i32
    %get3A_160 = arith.index_cast %add3A_159 : i32 to index
    %get3A_161 = memref.load %arg1[%get3A_160] : memref<800xi32, #tpu.memory_space<smem>>
    %jit3A_162 = arith.constant 8 : i32
    %eq3A_163 = arith.constant 0 : i32
    %eq3A_164 = arith.cmpi eq, %jit3A_162, %eq3A_163 : i32
    %jit3A_165 = arith.constant 1 : i32
    %select_n3A_166 = arith.select %eq3A_164, %jit3A_165, %jit3A_162 : i32
    %rem3A_167 = arith.remsi %get3A_161, %select_n3A_166 : i32
    %ne3A_168 = arith.constant 0 : i32
    %ne3A_169 = arith.cmpi ne, %rem3A_167, %ne3A_168 : i32
    %lt3A_170 = arith.constant 0 : i32
    %lt3A_171 = arith.cmpi slt, %rem3A_167, %lt3A_170 : i32
    %lt3A_172 = arith.constant 0 : i32
    %lt3A_173 = arith.cmpi slt, %select_n3A_166, %lt3A_172 : i32
    %ne3A_174 = arith.xori %lt3A_171, %lt3A_173 : i1
    %and3A_175 = arith.andi %ne3A_174, %ne3A_169 : i1
    %add3A_176 = arith.addi %rem3A_167, %select_n3A_166 : i32
    %select_n3A_177 = arith.select %and3A_175, %add3A_176, %rem3A_167 : i32
    %eq3A_178 = vector.broadcast %select_n3A_177 : i32 to vector<8x64xi32>
    %eq3A_179 = arith.cmpi eq, %iota3A, %eq3A_178 : vector<8x64xi32>
    %jit3A_180 = arith.constant 0.000000e+00 : f32
    %broadcast_in_dim3A_181 = vector.broadcast %jit3A_180 : f32 to vector<8x64xf32>
    %select_n3A_182 = arith.select %eq3A_179, %get3A_155, %broadcast_in_dim3A_181 : vector<8x64xi1>, vector<8x64xf32>
    %reduce_sum3A_183 = arith.constant dense<0.000000e+00> : vector<64xf32>
    %reduce_sum3A_184 = vector.multi_reduction <add>, %select_n3A_182, %reduce_sum3A_183 [0] : vector<8x64xf32> to vector<64xf32>
    %broadcast_in_dim3A_185 = vector.shape_cast %reduce_sum3A_184 : vector<64xf32> to vector<1x64xf32>
    %get3A_186 = arith.constant 0 : index
    %get3A_187 = arith.constant 0 : index
    %get3A_188 = vector.load %arg8[%get3A_186, %get3A_187] : memref<8x64xf32, #tpu.memory_space<vmem>>, vector<8x64xf32>
    %mul3A_189 = arith.constant 8 : i32
    %mul3A_190 = arith.muli %arg0, %mul3A_189 : i32
    %add3A_191 = arith.constant 6 : i32
    %add3A_192 = arith.addi %mul3A_190, %add3A_191 : i32
    %get3A_193 = arith.index_cast %add3A_192 : i32 to index
    %get3A_194 = memref.load %arg1[%get3A_193] : memref<800xi32, #tpu.memory_space<smem>>
    %jit3A_195 = arith.constant 8 : i32
    %eq3A_196 = arith.constant 0 : i32
    %eq3A_197 = arith.cmpi eq, %jit3A_195, %eq3A_196 : i32
    %jit3A_198 = arith.constant 1 : i32
    %select_n3A_199 = arith.select %eq3A_197, %jit3A_198, %jit3A_195 : i32
    %rem3A_200 = arith.remsi %get3A_194, %select_n3A_199 : i32
    %ne3A_201 = arith.constant 0 : i32
    %ne3A_202 = arith.cmpi ne, %rem3A_200, %ne3A_201 : i32
    %lt3A_203 = arith.constant 0 : i32
    %lt3A_204 = arith.cmpi slt, %rem3A_200, %lt3A_203 : i32
    %lt3A_205 = arith.constant 0 : i32
    %lt3A_206 = arith.cmpi slt, %select_n3A_199, %lt3A_205 : i32
    %ne3A_207 = arith.xori %lt3A_204, %lt3A_206 : i1
    %and3A_208 = arith.andi %ne3A_207, %ne3A_202 : i1
    %add3A_209 = arith.addi %rem3A_200, %select_n3A_199 : i32
    %select_n3A_210 = arith.select %and3A_208, %add3A_209, %rem3A_200 : i32
    %eq3A_211 = vector.broadcast %select_n3A_210 : i32 to vector<8x64xi32>
    %eq3A_212 = arith.cmpi eq, %iota3A, %eq3A_211 : vector<8x64xi32>
    %jit3A_213 = arith.constant 0.000000e+00 : f32
    %broadcast_in_dim3A_214 = vector.broadcast %jit3A_213 : f32 to vector<8x64xf32>
    %select_n3A_215 = arith.select %eq3A_212, %get3A_188, %broadcast_in_dim3A_214 : vector<8x64xi1>, vector<8x64xf32>
    %reduce_sum3A_216 = arith.constant dense<0.000000e+00> : vector<64xf32>
    %reduce_sum3A_217 = vector.multi_reduction <add>, %select_n3A_215, %reduce_sum3A_216 [0] : vector<8x64xf32> to vector<64xf32>
    %broadcast_in_dim3A_218 = vector.shape_cast %reduce_sum3A_217 : vector<64xf32> to vector<1x64xf32>
    %get3A_219 = arith.constant 0 : index
    %get3A_220 = arith.constant 0 : index
    %get3A_221 = vector.load %arg9[%get3A_219, %get3A_220] : memref<8x64xf32, #tpu.memory_space<vmem>>, vector<8x64xf32>
    %mul3A_222 = arith.constant 8 : i32
    %mul3A_223 = arith.muli %arg0, %mul3A_222 : i32
    %add3A_224 = arith.constant 7 : i32
    %add3A_225 = arith.addi %mul3A_223, %add3A_224 : i32
    %get3A_226 = arith.index_cast %add3A_225 : i32 to index
    %get3A_227 = memref.load %arg1[%get3A_226] : memref<800xi32, #tpu.memory_space<smem>>
    %jit3A_228 = arith.constant 8 : i32
    %eq3A_229 = arith.constant 0 : i32
    %eq3A_230 = arith.cmpi eq, %jit3A_228, %eq3A_229 : i32
    %jit3A_231 = arith.constant 1 : i32
    %select_n3A_232 = arith.select %eq3A_230, %jit3A_231, %jit3A_228 : i32
    %rem3A_233 = arith.remsi %get3A_227, %select_n3A_232 : i32
    %ne3A_234 = arith.constant 0 : i32
    %ne3A_235 = arith.cmpi ne, %rem3A_233, %ne3A_234 : i32
    %lt3A_236 = arith.constant 0 : i32
    %lt3A_237 = arith.cmpi slt, %rem3A_233, %lt3A_236 : i32
    %lt3A_238 = arith.constant 0 : i32
    %lt3A_239 = arith.cmpi slt, %select_n3A_232, %lt3A_238 : i32
    %ne3A_240 = arith.xori %lt3A_237, %lt3A_239 : i1
    %and3A_241 = arith.andi %ne3A_240, %ne3A_235 : i1
    %add3A_242 = arith.addi %rem3A_233, %select_n3A_232 : i32
    %select_n3A_243 = arith.select %and3A_241, %add3A_242, %rem3A_233 : i32
    %eq3A_244 = vector.broadcast %select_n3A_243 : i32 to vector<8x64xi32>
    %eq3A_245 = arith.cmpi eq, %iota3A, %eq3A_244 : vector<8x64xi32>
    %jit3A_246 = arith.constant 0.000000e+00 : f32
    %broadcast_in_dim3A_247 = vector.broadcast %jit3A_246 : f32 to vector<8x64xf32>
    %select_n3A_248 = arith.select %eq3A_245, %get3A_221, %broadcast_in_dim3A_247 : vector<8x64xi1>, vector<8x64xf32>
    %reduce_sum3A_249 = arith.constant dense<0.000000e+00> : vector<64xf32>
    %reduce_sum3A_250 = vector.multi_reduction <add>, %select_n3A_248, %reduce_sum3A_249 [0] : vector<8x64xf32> to vector<64xf32>
    %broadcast_in_dim3A_251 = vector.shape_cast %reduce_sum3A_250 : vector<64xf32> to vector<1x64xf32>
    %concatenate3A = tpu.concatenate %broadcast_in_dim3A_20, %broadcast_in_dim3A_53, %broadcast_in_dim3A_86, %broadcast_in_dim3A_119, %broadcast_in_dim3A_152, %broadcast_in_dim3A_185, %broadcast_in_dim3A_218, %broadcast_in_dim3A_251 in 0 : vector<1x64xf32>, vector<1x64xf32>, vector<1x64xf32>, vector<1x64xf32>, vector<1x64xf32>, vector<1x64xf32>, vector<1x64xf32>, vector<1x64xf32> -> vector<8x64xf32>
    %get3A_252 = arith.constant 0 : index
    %get3A_253 = arith.constant 0 : index
    %get3A_254 = vector.load %arg10[%get3A_252, %get3A_253] : memref<64x64xf32, #tpu.memory_space<vmem>>, vector<64x64xf32>
    %dot_general3A = arith.constant dense<0.000000e+00> : vector<8x64xf32>
    %dot_general3A_255 = tpu.matmul %concatenate3A, %get3A_254, %dot_general3A {dimension_numbers = #tpu.dot_dimension_numbers<[1], [1], [0], [0], [0, 0, 1, 0], [], []>, transpose_lhs_hint = false} : vector<8x64xf32>, vector<64x64xf32>, vector<8x64xf32> -> vector<8x64xf32>
    %get3A_256 = arith.constant 0 : index
    %get3A_257 = arith.constant 0 : index
    %get3A_258 = vector.load %arg11[%get3A_256, %get3A_257] : memref<1x64xf32, #tpu.memory_space<vmem>>, vector<1x64xf32>
    %add3A_259 = vector.broadcast %get3A_258 : vector<1x64xf32> to vector<8x64xf32>
    %add3A_260 = arith.addf %dot_general3A_255, %add3A_259 : vector<8x64xf32>
    %reduce_sum3A_261 = arith.constant dense<0.000000e+00> : vector<8xf32>
    %reduce_sum3A_262 = vector.multi_reduction <add>, %add3A_260, %reduce_sum3A_261 [1] : vector<8x64xf32> to vector<8xf32>
    %broadcast_in_dim3A_263 = vector.shape_cast %reduce_sum3A_262 : vector<8xf32> to vector<8x1xf32>
    %div3A = arith.constant 6.400000e+01 : f32
    %div3A_264 = vector.broadcast %div3A : f32 to vector<8x1xf32>
    %div3A_265 = arith.divf %broadcast_in_dim3A_263, %div3A_264 : vector<8x1xf32>
    %sub3A = vector.broadcast %div3A_265 : vector<8x1xf32> to vector<8x64xf32>
    %sub3A_266 = arith.subf %add3A_260, %sub3A : vector<8x64xf32>
    %mul3A_267 = arith.mulf %sub3A_266, %sub3A_266 : vector<8x64xf32>
    %reduce_sum3A_268 = arith.constant dense<0.000000e+00> : vector<8xf32>
    %reduce_sum3A_269 = vector.multi_reduction <add>, %mul3A_267, %reduce_sum3A_268 [1] : vector<8x64xf32> to vector<8xf32>
    %broadcast_in_dim3A_270 = vector.shape_cast %reduce_sum3A_269 : vector<8xf32> to vector<8x1xf32>
    %div3A_271 = arith.constant 6.400000e+01 : f32
    %div3A_272 = vector.broadcast %div3A_271 : f32 to vector<8x1xf32>
    %div3A_273 = arith.divf %broadcast_in_dim3A_270, %div3A_272 : vector<8x1xf32>
    %add3A_274 = arith.constant 9.99999996E-13 : f32
    %add3A_275 = vector.broadcast %add3A_274 : f32 to vector<8x1xf32>
    %add3A_276 = arith.addf %div3A_273, %add3A_275 : vector<8x1xf32>
    %rsqrt3A = math.rsqrt %add3A_276 : vector<8x1xf32>
    %mul3A_277 = vector.broadcast %rsqrt3A : vector<8x1xf32> to vector<8x64xf32>
    %mul3A_278 = arith.mulf %sub3A_266, %mul3A_277 : vector<8x64xf32>
    %get3A_279 = arith.constant 0 : index
    %get3A_280 = arith.constant 0 : index
    %get3A_281 = vector.load %arg12[%get3A_279, %get3A_280] : memref<1x64xf32, #tpu.memory_space<vmem>>, vector<1x64xf32>
    %mul3A_282 = vector.broadcast %get3A_281 : vector<1x64xf32> to vector<8x64xf32>
    %mul3A_283 = arith.mulf %mul3A_278, %mul3A_282 : vector<8x64xf32>
    %get3A_284 = arith.constant 0 : index
    %get3A_285 = arith.constant 0 : index
    %get3A_286 = vector.load %arg13[%get3A_284, %get3A_285] : memref<1x64xf32, #tpu.memory_space<vmem>>, vector<1x64xf32>
    %add3A_287 = vector.broadcast %get3A_286 : vector<1x64xf32> to vector<8x64xf32>
    %add3A_288 = arith.addf %mul3A_283, %add3A_287 : vector<8x64xf32>
    %swap3A = arith.constant 0 : index
    %swap3A_289 = arith.constant 0 : index
    %swap3A_290 = vector.load %arg14[%swap3A, %swap3A_289] : memref<8x64xf32, #tpu.memory_space<vmem>>, vector<8x64xf32>
    tpu.vector_store %arg14[%swap3A, %swap3A_289], %add3A_288 {strides = array<i32>} : memref<8x64xf32, #tpu.memory_space<vmem>>, vector<8x64xf32>,
    return
  }
  func.func @transform_0(%arg0: i32, %arg1: memref<800xi32, #tpu.memory_space<smem>>) -> (i32, i32) {
    %mul3A = arith.constant 8 : i32
    %mul3A_0 = arith.muli %arg0, %mul3A : i32
    %add3A = arith.constant 0 : i32
    %add3A_1 = arith.addi %mul3A_0, %add3A : i32
    %get3A = arith.index_cast %add3A_1 : i32 to index
    %get3A_2 = memref.load %arg1[%get3A] : memref<800xi32, #tpu.memory_space<smem>>
    %jit3A = arith.constant 8 : i32
    %div3A = arith.divsi %get3A_2, %jit3A : i32
    %sign3A = arith.constant 0 : i32
    %sign3A_3 = arith.cmpi sgt, %get3A_2, %sign3A : i32
    %sign3A_4 = arith.extui %sign3A_3 : i1 to i32
    %sign3A_5 = arith.constant 0 : i32
    %sign3A_6 = arith.cmpi slt, %get3A_2, %sign3A_5 : i32
    %sign3A_7 = arith.extui %sign3A_6 : i1 to i32
    %sign3A_8 = arith.subi %sign3A_4, %sign3A_7 : i32
    %sign3A_9 = arith.constant 0 : i32
    %sign3A_10 = arith.cmpi sgt, %jit3A, %sign3A_9 : i32
    %sign3A_11 = arith.extui %sign3A_10 : i1 to i32
    %sign3A_12 = arith.constant 0 : i32
    %sign3A_13 = arith.cmpi slt, %jit3A, %sign3A_12 : i32
    %sign3A_14 = arith.extui %sign3A_13 : i1 to i32
    %sign3A_15 = arith.subi %sign3A_11, %sign3A_14 : i32
    %ne3A = arith.cmpi ne, %sign3A_8, %sign3A_15 : i32
    %rem3A = arith.remsi %get3A_2, %jit3A : i32
    %ne3A_16 = arith.constant 0 : i32
    %ne3A_17 = arith.cmpi ne, %rem3A, %ne3A_16 : i32
    %and3A = arith.andi %ne3A, %ne3A_17 : i1
    %sub3A = arith.constant 1 : i32
    %sub3A_18 = arith.subi %div3A, %sub3A : i32
    %select_n3A = arith.select %and3A, %sub3A_18, %div3A : i32
    %c0_i32 = arith.constant 0 : i32
    %c0_i32_19 = arith.constant 0 : i32
    return %select_n3A, %c0_i32 : i32, i32
  }
  func.func @transform_1(%arg0: i32, %arg1: memref<800xi32, #tpu.memory_space<smem>>) -> (i32, i32) {
    %mul3A = arith.constant 8 : i32
    %mul3A_0 = arith.muli %arg0, %mul3A : i32
    %add3A = arith.constant 1 : i32
    %add3A_1 = arith.addi %mul3A_0, %add3A : i32
    %get3A = arith.index_cast %add3A_1 : i32 to index
    %get3A_2 = memref.load %arg1[%get3A] : memref<800xi32, #tpu.memory_space<smem>>
    %jit3A = arith.constant 8 : i32
    %div3A = arith.divsi %get3A_2, %jit3A : i32
    %sign3A = arith.constant 0 : i32
    %sign3A_3 = arith.cmpi sgt, %get3A_2, %sign3A : i32
    %sign3A_4 = arith.extui %sign3A_3 : i1 to i32
    %sign3A_5 = arith.constant 0 : i32
    %sign3A_6 = arith.cmpi slt, %get3A_2, %sign3A_5 : i32
    %sign3A_7 = arith.extui %sign3A_6 : i1 to i32
    %sign3A_8 = arith.subi %sign3A_4, %sign3A_7 : i32
    %sign3A_9 = arith.constant 0 : i32
    %sign3A_10 = arith.cmpi sgt, %jit3A, %sign3A_9 : i32
    %sign3A_11 = arith.extui %sign3A_10 : i1 to i32
    %sign3A_12 = arith.constant 0 : i32
    %sign3A_13 = arith.cmpi slt, %jit3A, %sign3A_12 : i32
    %sign3A_14 = arith.extui %sign3A_13 : i1 to i32
    %sign3A_15 = arith.subi %sign3A_11, %sign3A_14 : i32
    %ne3A = arith.cmpi ne, %sign3A_8, %sign3A_15 : i32
    %rem3A = arith.remsi %get3A_2, %jit3A : i32
    %ne3A_16 = arith.constant 0 : i32
    %ne3A_17 = arith.cmpi ne, %rem3A, %ne3A_16 : i32
    %and3A = arith.andi %ne3A, %ne3A_17 : i1
    %sub3A = arith.constant 1 : i32
    %sub3A_18 = arith.subi %div3A, %sub3A : i32
    %select_n3A = arith.select %and3A, %sub3A_18, %div3A : i32
    %c0_i32 = arith.constant 0 : i32
    %c0_i32_19 = arith.constant 0 : i32
    return %select_n3A, %c0_i32 : i32, i32
  }
  func.func @transform_2(%arg0: i32, %arg1: memref<800xi32, #tpu.memory_space<smem>>) -> (i32, i32) {
    %mul3A = arith.constant 8 : i32
    %mul3A_0 = arith.muli %arg0, %mul3A : i32
    %add3A = arith.constant 2 : i32
    %add3A_1 = arith.addi %mul3A_0, %add3A : i32
    %get3A = arith.index_cast %add3A_1 : i32 to index
    %get3A_2 = memref.load %arg1[%get3A] : memref<800xi32, #tpu.memory_space<smem>>
    %jit3A = arith.constant 8 : i32
    %div3A = arith.divsi %get3A_2, %jit3A : i32
    %sign3A = arith.constant 0 : i32
    %sign3A_3 = arith.cmpi sgt, %get3A_2, %sign3A : i32
    %sign3A_4 = arith.extui %sign3A_3 : i1 to i32
    %sign3A_5 = arith.constant 0 : i32
    %sign3A_6 = arith.cmpi slt, %get3A_2, %sign3A_5 : i32
    %sign3A_7 = arith.extui %sign3A_6 : i1 to i32
    %sign3A_8 = arith.subi %sign3A_4, %sign3A_7 : i32
    %sign3A_9 = arith.constant 0 : i32
    %sign3A_10 = arith.cmpi sgt, %jit3A, %sign3A_9 : i32
    %sign3A_11 = arith.extui %sign3A_10 : i1 to i32
    %sign3A_12 = arith.constant 0 : i32
    %sign3A_13 = arith.cmpi slt, %jit3A, %sign3A_12 : i32
    %sign3A_14 = arith.extui %sign3A_13 : i1 to i32
    %sign3A_15 = arith.subi %sign3A_11, %sign3A_14 : i32
    %ne3A = arith.cmpi ne, %sign3A_8, %sign3A_15 : i32
    %rem3A = arith.remsi %get3A_2, %jit3A : i32
    %ne3A_16 = arith.constant 0 : i32
    %ne3A_17 = arith.cmpi ne, %rem3A, %ne3A_16 : i32
    %and3A = arith.andi %ne3A, %ne3A_17 : i1
    %sub3A = arith.constant 1 : i32
    %sub3A_18 = arith.subi %div3A, %sub3A : i32
    %select_n3A = arith.select %and3A, %sub3A_18, %div3A : i32
    %c0_i32 = arith.constant 0 : i32
    %c0_i32_19 = arith.constant 0 : i32
    return %select_n3A, %c0_i32 : i32, i32
  }
  func.func @transform_3(%arg0: i32, %arg1: memref<800xi32, #tpu.memory_space<smem>>) -> (i32, i32) {
    %mul3A = arith.constant 8 : i32
    %mul3A_0 = arith.muli %arg0, %mul3A : i32
    %add3A = arith.constant 3 : i32
    %add3A_1 = arith.addi %mul3A_0, %add3A : i32
    %get3A = arith.index_cast %add3A_1 : i32 to index
    %get3A_2 = memref.load %arg1[%get3A] : memref<800xi32, #tpu.memory_space<smem>>
    %jit3A = arith.constant 8 : i32
    %div3A = arith.divsi %get3A_2, %jit3A : i32
    %sign3A = arith.constant 0 : i32
    %sign3A_3 = arith.cmpi sgt, %get3A_2, %sign3A : i32
    %sign3A_4 = arith.extui %sign3A_3 : i1 to i32
    %sign3A_5 = arith.constant 0 : i32
    %sign3A_6 = arith.cmpi slt, %get3A_2, %sign3A_5 : i32
    %sign3A_7 = arith.extui %sign3A_6 : i1 to i32
    %sign3A_8 = arith.subi %sign3A_4, %sign3A_7 : i32
    %sign3A_9 = arith.constant 0 : i32
    %sign3A_10 = arith.cmpi sgt, %jit3A, %sign3A_9 : i32
    %sign3A_11 = arith.extui %sign3A_10 : i1 to i32
    %sign3A_12 = arith.constant 0 : i32
    %sign3A_13 = arith.cmpi slt, %jit3A, %sign3A_12 : i32
    %sign3A_14 = arith.extui %sign3A_13 : i1 to i32
    %sign3A_15 = arith.subi %sign3A_11, %sign3A_14 : i32
    %ne3A = arith.cmpi ne, %sign3A_8, %sign3A_15 : i32
    %rem3A = arith.remsi %get3A_2, %jit3A : i32
    %ne3A_16 = arith.constant 0 : i32
    %ne3A_17 = arith.cmpi ne, %rem3A, %ne3A_16 : i32
    %and3A = arith.andi %ne3A, %ne3A_17 : i1
    %sub3A = arith.constant 1 : i32
    %sub3A_18 = arith.subi %div3A, %sub3A : i32
    %select_n3A = arith.select %and3A, %sub3A_18, %div3A : i32
    %c0_i32 = arith.constant 0 : i32
    %c0_i32_19 = arith.constant 0 : i32
    return %select_n3A, %c0_i32 : i32, i32
  }
  func.func @transform_4(%arg0: i32, %arg1: memref<800xi32, #tpu.memory_space<smem>>) -> (i32, i32) {
    %mul3A = arith.constant 8 : i32
    %mul3A_0 = arith.muli %arg0, %mul3A : i32
    %add3A = arith.constant 4 : i32
    %add3A_1 = arith.addi %mul3A_0, %add3A : i32
    %get3A = arith.index_cast %add3A_1 : i32 to index
    %get3A_2 = memref.load %arg1[%get3A] : memref<800xi32, #tpu.memory_space<smem>>
    %jit3A = arith.constant 8 : i32
    %div3A = arith.divsi %get3A_2, %jit3A : i32
    %sign3A = arith.constant 0 : i32
    %sign3A_3 = arith.cmpi sgt, %get3A_2, %sign3A : i32
    %sign3A_4 = arith.extui %sign3A_3 : i1 to i32
    %sign3A_5 = arith.constant 0 : i32
    %sign3A_6 = arith.cmpi slt, %get3A_2, %sign3A_5 : i32
    %sign3A_7 = arith.extui %sign3A_6 : i1 to i32
    %sign3A_8 = arith.subi %sign3A_4, %sign3A_7 : i32
    %sign3A_9 = arith.constant 0 : i32
    %sign3A_10 = arith.cmpi sgt, %jit3A, %sign3A_9 : i32
    %sign3A_11 = arith.extui %sign3A_10 : i1 to i32
    %sign3A_12 = arith.constant 0 : i32
    %sign3A_13 = arith.cmpi slt, %jit3A, %sign3A_12 : i32
    %sign3A_14 = arith.extui %sign3A_13 : i1 to i32
    %sign3A_15 = arith.subi %sign3A_11, %sign3A_14 : i32
    %ne3A = arith.cmpi ne, %sign3A_8, %sign3A_15 : i32
    %rem3A = arith.remsi %get3A_2, %jit3A : i32
    %ne3A_16 = arith.constant 0 : i32
    %ne3A_17 = arith.cmpi ne, %rem3A, %ne3A_16 : i32
    %and3A = arith.andi %ne3A, %ne3A_17 : i1
    %sub3A = arith.constant 1 : i32
    %sub3A_18 = arith.subi %div3A, %sub3A : i32
    %select_n3A = arith.select %and3A, %sub3A_18, %div3A : i32
    %c0_i32 = arith.constant 0 : i32
    %c0_i32_19 = arith.constant 0 : i32
    return %select_n3A, %c0_i32 : i32, i32
  }
  func.func @transform_5(%arg0: i32, %arg1: memref<800xi32, #tpu.memory_space<smem>>) -> (i32, i32) {
    %mul3A = arith.constant 8 : i32
    %mul3A_0 = arith.muli %arg0, %mul3A : i32
    %add3A = arith.constant 5 : i32
    %add3A_1 = arith.addi %mul3A_0, %add3A : i32
    %get3A = arith.index_cast %add3A_1 : i32 to index
    %get3A_2 = memref.load %arg1[%get3A] : memref<800xi32, #tpu.memory_space<smem>>
    %jit3A = arith.constant 8 : i32
    %div3A = arith.divsi %get3A_2, %jit3A : i32
    %sign3A = arith.constant 0 : i32
    %sign3A_3 = arith.cmpi sgt, %get3A_2, %sign3A : i32
    %sign3A_4 = arith.extui %sign3A_3 : i1 to i32
    %sign3A_5 = arith.constant 0 : i32
    %sign3A_6 = arith.cmpi slt, %get3A_2, %sign3A_5 : i32
    %sign3A_7 = arith.extui %sign3A_6 : i1 to i32
    %sign3A_8 = arith.subi %sign3A_4, %sign3A_7 : i32
    %sign3A_9 = arith.constant 0 : i32
    %sign3A_10 = arith.cmpi sgt, %jit3A, %sign3A_9 : i32
    %sign3A_11 = arith.extui %sign3A_10 : i1 to i32
    %sign3A_12 = arith.constant 0 : i32
    %sign3A_13 = arith.cmpi slt, %jit3A, %sign3A_12 : i32
    %sign3A_14 = arith.extui %sign3A_13 : i1 to i32
    %sign3A_15 = arith.subi %sign3A_11, %sign3A_14 : i32
    %ne3A = arith.cmpi ne, %sign3A_8, %sign3A_15 : i32
    %rem3A = arith.remsi %get3A_2, %jit3A : i32
    %ne3A_16 = arith.constant 0 : i32
    %ne3A_17 = arith.cmpi ne, %rem3A, %ne3A_16 : i32
    %and3A = arith.andi %ne3A, %ne3A_17 : i1
    %sub3A = arith.constant 1 : i32
    %sub3A_18 = arith.subi %div3A, %sub3A : i32
    %select_n3A = arith.select %and3A, %sub3A_18, %div3A : i32
    %c0_i32 = arith.constant 0 : i32
    %c0_i32_19 = arith.constant 0 : i32
    return %select_n3A, %c0_i32 : i32, i32
  }
  func.func @transform_6(%arg0: i32, %arg1: memref<800xi32, #tpu.memory_space<smem>>) -> (i32, i32) {
    %mul3A = arith.constant 8 : i32
    %mul3A_0 = arith.muli %arg0, %mul3A : i32
    %add3A = arith.constant 6 : i32
    %add3A_1 = arith.addi %mul3A_0, %add3A : i32
    %get3A = arith.index_cast %add3A_1 : i32 to index
    %get3A_2 = memref.load %arg1[%get3A] : memref<800xi32, #tpu.memory_space<smem>>
    %jit3A = arith.constant 8 : i32
    %div3A = arith.divsi %get3A_2, %jit3A : i32
    %sign3A = arith.constant 0 : i32
    %sign3A_3 = arith.cmpi sgt, %get3A_2, %sign3A : i32
    %sign3A_4 = arith.extui %sign3A_3 : i1 to i32
    %sign3A_5 = arith.constant 0 : i32
    %sign3A_6 = arith.cmpi slt, %get3A_2, %sign3A_5 : i32
    %sign3A_7 = arith.extui %sign3A_6 : i1 to i32
    %sign3A_8 = arith.subi %sign3A_4, %sign3A_7 : i32
    %sign3A_9 = arith.constant 0 : i32
    %sign3A_10 = arith.cmpi sgt, %jit3A, %sign3A_9 : i32
    %sign3A_11 = arith.extui %sign3A_10 : i1 to i32
    %sign3A_12 = arith.constant 0 : i32
    %sign3A_13 = arith.cmpi slt, %jit3A, %sign3A_12 : i32
    %sign3A_14 = arith.extui %sign3A_13 : i1 to i32
    %sign3A_15 = arith.subi %sign3A_11, %sign3A_14 : i32
    %ne3A = arith.cmpi ne, %sign3A_8, %sign3A_15 : i32
    %rem3A = arith.remsi %get3A_2, %jit3A : i32
    %ne3A_16 = arith.constant 0 : i32
    %ne3A_17 = arith.cmpi ne, %rem3A, %ne3A_16 : i32
    %and3A = arith.andi %ne3A, %ne3A_17 : i1
    %sub3A = arith.constant 1 : i32
    %sub3A_18 = arith.subi %div3A, %sub3A : i32
    %select_n3A = arith.select %and3A, %sub3A_18, %div3A : i32
    %c0_i32 = arith.constant 0 : i32
    %c0_i32_19 = arith.constant 0 : i32
    return %select_n3A, %c0_i32 : i32, i32
  }
  func.func @transform_7(%arg0: i32, %arg1: memref<800xi32, #tpu.memory_space<smem>>) -> (i32, i32) {
    %mul3A = arith.constant 8 : i32
    %mul3A_0 = arith.muli %arg0, %mul3A : i32
    %add3A = arith.constant 7 : i32
    %add3A_1 = arith.addi %mul3A_0, %add3A : i32
    %get3A = arith.index_cast %add3A_1 : i32 to index
    %get3A_2 = memref.load %arg1[%get3A] : memref<800xi32, #tpu.memory_space<smem>>
    %jit3A = arith.constant 8 : i32
    %div3A = arith.divsi %get3A_2, %jit3A : i32
    %sign3A = arith.constant 0 : i32
    %sign3A_3 = arith.cmpi sgt, %get3A_2, %sign3A : i32
    %sign3A_4 = arith.extui %sign3A_3 : i1 to i32
    %sign3A_5 = arith.constant 0 : i32
    %sign3A_6 = arith.cmpi slt, %get3A_2, %sign3A_5 : i32
    %sign3A_7 = arith.extui %sign3A_6 : i1 to i32
    %sign3A_8 = arith.subi %sign3A_4, %sign3A_7 : i32
    %sign3A_9 = arith.constant 0 : i32
    %sign3A_10 = arith.cmpi sgt, %jit3A, %sign3A_9 : i32
    %sign3A_11 = arith.extui %sign3A_10 : i1 to i32
    %sign3A_12 = arith.constant 0 : i32
    %sign3A_13 = arith.cmpi slt, %jit3A, %sign3A_12 : i32
    %sign3A_14 = arith.extui %sign3A_13 : i1 to i32
    %sign3A_15 = arith.subi %sign3A_11, %sign3A_14 : i32
    %ne3A = arith.cmpi ne, %sign3A_8, %sign3A_15 : i32
    %rem3A = arith.remsi %get3A_2, %jit3A : i32
    %ne3A_16 = arith.constant 0 : i32
    %ne3A_17 = arith.cmpi ne, %rem3A, %ne3A_16 : i32
    %and3A = arith.andi %ne3A, %ne3A_17 : i1
    %sub3A = arith.constant 1 : i32
    %sub3A_18 = arith.subi %div3A, %sub3A : i32
    %select_n3A = arith.select %and3A, %sub3A_18, %div3A : i32
    %c0_i32 = arith.constant 0 : i32
    %c0_i32_19 = arith.constant 0 : i32
    return %select_n3A, %c0_i32 : i32, i32
  }
  func.func @transform_8(%arg0: i32, %arg1: memref<800xi32, #tpu.memory_space<smem>>) -> (i32, i32) {
    %c0_i32 = arith.constant 0 : i32
    %c0_i32_0 = arith.constant 0 : i32
    %c0_i32_1 = arith.constant 0 : i32
    return %c0_i32, %c0_i32_0 : i32, i32
  }
  func.func @transform_9(%arg0: i32, %arg1: memref<800xi32, #tpu.memory_space<smem>>) -> (i32, i32) {
    %c0_i32 = arith.constant 0 : i32
    %c0_i32_0 = arith.constant 0 : i32
    %c0_i32_1 = arith.constant 0 : i32
    return %c0_i32, %c0_i32_0 : i32, i32
  }
  func.func @transform_10(%arg0: i32, %arg1: memref<800xi32, #tpu.memory_space<smem>>) -> (i32, i32) {
    %c0_i32 = arith.constant 0 : i32
    %c0_i32_0 = arith.constant 0 : i32
    %c0_i32_1 = arith.constant 0 : i32
    return %c0_i32, %c0_i32_0 : i32, i32
  }
  func.func @transform_11(%arg0: i32, %arg1: memref<800xi32, #tpu.memory_space<smem>>) -> (i32, i32) {
    %c0_i32 = arith.constant 0 : i32
    %c0_i32_0 = arith.constant 0 : i32
    %c0_i32_1 = arith.constant 0 : i32
    return %c0_i32, %c0_i32_0 : i32, i32
  }
  func.func @transform_12(%arg0: i32, %arg1: memref<800xi32, #tpu.memory_space<smem>>) -> (i32, i32) {
    %c0_i32 = arith.constant 0 : i32
    %c0_i32_0 = arith.constant 0 : i32
    return %arg0, %c0_i32 : i32, i32
  }
}

</mosaic_0001>

<sc_bundles>
// kernel: kernel.6.cloned.1.call-start
scs
__scs_entry_jumppad:
0x0: {  	(pc) =	sbr.rel $0x88, $3  }
0x1: {  	(tag) =	ssettag $0x0;
	lr =	simm.s32 $0x1  }
0x2: {  	[smem:$0x3F96] =	sst lr;
	_ =	strace $0xD0000000  }
0x3: {  	_ = 	snop  }
0x4: {  	_ = 	snop  }
0x5: {  	_ = 	snop  }
0x6: {  	_ = 	snop  }
0x7: {  	_ = 	snop  }
__scs_overlays_trampoline_lowered:
0x8: {  	[smem:$0x3FA5] =	sst s0  }
0x9: {  	[smem:$0x3FA6] =	sst s1  }
0xa: {  	[smem:$0x3FA7] =	sst s2  }
0xb: {  	[smem:$0x3FA8] =	sst s3  }
0xc: {  	[smem:$0x3FA9] =	sst s4  }
0xd: {  	[smem:$0x3FAA] =	sst s5  }
0xe: {  	[smem:$0x3FAB] =	sst s6  }
0xf: {  	[smem:$0x3FAC] =	sst s7  }
0x10: {  	[smem:$0x3FAD] =	sst s8  }
0x11: {  	[smem:$0x3FAE] =	sst s9;
	s0 =	simm.s32 @!p0 $0x0  }
0x12: {  	s1 =	sld [smem:$0x3F94];
	s0 =	simm.s32 @p0 $0x1  }
0x13: {  	[smem:$0x3FAF] =	sst s0;
	s0 =	simm.s32 @!p1 $0x0  }
0x14: {  	s2 =	sld [smem:$0x3F93];
	s0 =	simm.s32 @p1 $0x1  }
0x15: {  	[smem:$0x3FB0] =	sst s0;
	s0 =	simm.s32 @!p2 $0x0  }
0x16: {  	s3 =	sld [smem:$0x3FDB];
	s0 =	simm.s32 @p2 $0x1  }
0x17: {  	s4 =	simm.s32 $0x1BF5;
	[smem:$0x3FB2] =	sst s0  }
0x18: {  	s0 =	sld [smem:$0x3F95];
	_ =	swait.ge [sflag:s4], $0x0  }
0x19: {  	s7 =	sld [smem:$0x3F96]  }
0x1a: {  	s8 =	sadd.s32 $0xFFFFE003, lr  }
0x1b: {  	s9 =	sadd.s32 $0xFFFFFEF7, lr;
	s5 =	simm.s32 $0xFFFFFFFF;
	p2 =	slt.u32 s8, $0xFFFFF086  }
0x1c: {  	p1 =	slt.u32 s9, $0xF7A;
	s5 =	simm.s32 @!p2 $0x0  }
0x1d: {  	s5 =	simm.s32 @p1 $0x1;
	p0 =	seq.s32 s7, s2  }
0x1e: {  	s7 =	smul.u32 @!p0 $0xF7A, s2;
	p2 =	seq.s32 @!p0 s5, $0x0  }
0x1f: {  	s9 =	smul.u32 $0xF7A, s1;
	s8 =	simm.s32 @!p0 $0x1BF5;
	p2 =	por !p2, p0  }
0x20: {  	[sflag:s8] =	ssyncset.s32 @!p0 $0xFFFFF086;
	s6 =	sadd.s32 @!p0 s3, s7;
	s7 =	simm.s32 @!p0 $0x108  }
0x21: {  	s3 =	sadd.s32 s3, s9;
	s6 =	sadd.s32 @!p0 $0x88, s6;
	s7 =	simm.s32 @p2 $0x1082  }
0x22: {  	[simem:s7], [sflag:s8] =	dma.local @!p0 [hbm:s6], $0xF7A  }
0x23: {  	s9 =	sor.u32 $0xD0000000, s2;
	s6 =	simm.s32 $0x108;
	_ =	swait.ge @!p0 [sflag:s8], $0x0  }
0x24: {  	s3 =	sadd.s32 $0x88, s3;
	s6 =	simm.s32 @!p1 $0x1082;
	[sflag:s4] =	ssyncset.s32 $0xFFFFF086  }
0x25: {  	[simem:s6], [sflag:s4] =	dma.local [hbm:s3], $0xF7A  }
0x26: {  	[smem:$0x3F96] =	sst s1;
	(tag) =	ssettag s2;
	_ =	strace s9  }
0x27: {  	s1 =	sld [smem:$0x3FA6]  }
0x28: {  	s2 =	sld [smem:$0x3FA7]  }
0x29: {  	s4 =	sld [smem:$0x3FA9]  }
0x2a: {  	p0 =	seq.s32 s5, $0x0;
	s5 =	sld [smem:$0x3FAA]  }
0x2b: {  	s6 =	sld [smem:$0x3FAB]  }
0x2c: {  	s7 =	sld [smem:$0x3FAC]  }
0x2d: {  	s3 =	simm.s32 $0x108;
	s8 =	sld [smem:$0x3FAD]  }
0x2e: {  	s3 =	simm.s32 @!p0 $0x1082;
	s9 =	sld [smem:$0x3FAE]  }
0x2f: {  	lr =	sadd.s32 s0, s3;
	s0 =	sld [smem:$0x3FA5]  }
0x30: {  	s3 =	sld [smem:$0x3FA8]  }
0x31: {  	[smem:$0x3FB1] =	sst s10  }
0x32: {  	s10 =	sld [smem:$0x3FAF];
	_ =	sdelay $0x3  }
0x33: {  	p0 =	seq.s32 s10, $0x1;
	s10 =	sld [smem:$0x3FB1];
	_ =	sdelay $0x3  }
0x34: {  	[smem:$0x3FB1] =	sst s10  }
0x35: {  	s10 =	sld [smem:$0x3FB0];
	_ =	sdelay $0x3  }
0x36: {  	p1 =	seq.s32 s10, $0x1;
	s10 =	sld [smem:$0x3FB1];
	_ =	sdelay $0x3  }
0x37: {  	[smem:$0x3FB1] =	sst s10  }
0x38: {  	s10 =	sld [smem:$0x3FB2]  }
0x39: {  	_ = 	snop;
	(pc) =	sbr.ind lr, $3  }
0x3a: {  	_ = 	snop  }
0x3b: {  	_ = 	snop  }
0x3c: {  	p2 =	seq.s32 s10, $0x1;
	s10 =	sld [smem:$0x3FB1]  }
0x3d: {  	_ =	shalt  }
0x3e: {  	_ =	shalt  }
0x3f: {  	_ =	shalt  }
0x40: {  	_ =	shalt  }
0x41: {  	_ =	shalt  }
0x42: {  	_ =	shalt  }
0x43: {  	_ =	shalt  }
0x44: {  	_ =	shalt  }
0x45: {  	_ =	shalt  }
0x46: {  	_ =	shalt  }
0x47: {  	_ =	shalt  }
0x48: {  	_ =	shalt  }
0x49: {  	_ =	shalt  }
0x4a: {  	_ =	shalt  }
0x4b: {  	_ =	shalt  }
0x4c: {  	_ =	shalt  }
0x4d: {  	_ =	shalt  }
0x4e: {  	_ =	shalt  }
0x4f: {  	_ =	shalt  }
0x50: {  	_ =	shalt  }
0x51: {  	_ =	shalt  }
0x52: {  	_ =	shalt  }
0x53: {  	_ =	shalt  }
0x54: {  	_ =	shalt  }
0x55: {  	_ =	shalt  }
0x56: {  	_ =	shalt  }
0x57: {  	_ =	shalt  }
0x58: {  	_ =	shalt  }
0x59: {  	_ =	shalt  }
0x5a: {  	_ =	shalt  }
0x5b: {  	_ =	shalt  }
0x5c: {  	_ =	shalt  }
0x5d: {  	_ =	shalt  }
0x5e: {  	_ =	shalt  }
0x5f: {  	_ =	shalt  }
0x60: {  	_ =	shalt  }
0x61: {  	_ =	shalt  }
0x62: {  	_ =	shalt  }
0x63: {  	_ =	shalt  }
0x64: {  	_ =	shalt  }
0x65: {  	_ =	shalt  }
0x66: {  	_ =	shalt  }
0x67: {  	_ =	shalt  }
0x68: {  	_ =	shalt  }
0x69: {  	_ =	shalt  }
0x6a: {  	_ =	shalt  }
0x6b: {  	_ =	shalt  }
0x6c: {  	_ =	shalt  }
0x6d: {  	_ =	shalt  }
0x6e: {  	_ =	shalt  }
0x6f: {  	_ =	shalt  }
0x70: {  	_ =	shalt  }
0x71: {  	_ =	shalt  }
0x72: {  	_ =	shalt  }
0x73: {  	_ =	shalt  }
0x74: {  	_ =	shalt  }
0x75: {  	_ =	shalt  }
0x76: {  	_ =	shalt  }
0x77: {  	_ =	shalt  }
0x78: {  	_ =	shalt  }
0x79: {  	_ =	shalt  }
0x7a: {  	_ =	shalt  }
0x7b: {  	_ =	shalt  }
0x7c: {  	_ =	shalt  }
0x7d: {  	_ =	shalt  }
0x7e: {  	_ =	shalt  }
0x7f: {  	_ =	shalt  }
0x80: {  	_ =	shalt  }
0x81: {  	_ =	shalt  }
0x82: {  	_ =	shalt  }
0x83: {  	_ =	shalt  }
0x84: {  	_ =	shalt  }
0x85: {  	_ =	shalt  }
0x86: {  	_ =	shalt  }
0x87: {  	_ =	shalt  }
.Lfunc_end0:
.L_simem_size_0:
called_computation_lowered:
.L_overlay_start_0:
0x88: {  	s2 =	sld [smem:$0x3FD9]  }
0x89: {  	s3 =	sld [smem:$0x3FFE];
	_ =	sdelay $0x1  }
0x8a: {  	s1 =	srdreg.scid  }
0x8b: {  	s0 =	sand.u32 $0x1, s1  }
0x8c: {  	s14 =	sshll.u32 s0, $0xA;
	s2 =	sadd.s32 s3, s2  }
0x8d: {  	s2 =	sadd.s32 s2, s14  }
0x8e: {  	[smem:$0x3FBD] =	sst s2  }
0x8f: {  	_ = 	snop  }
0x90: {  	s2 =	sld [smem:$0x3FD0];
	_ =	sdelay $0x2  }
0x91: {  	s15 =	simm.s32 $0xA;
	s4 =	simm.s32 $0x10  }
0x92: {  	[smem:s4], [sflag:s15] =	dma.local [hbm:s2], $0x1  }
0x93: {  	_ =	swait.eq [sflag:s15], $0x1  }
0x94: {  	[sflag:s15] =	ssyncset.done $0x0  }
0x95: {  	[sflag:s15] =	ssyncadd.s32 $0xFFFFFFFF  }
0x96: {  	s16 =	sld [smem:$0x11];
	(tm) =	ssettm $0x1  }
0x97: {  	s17 =	sld [smem:$0x3FFB];
	_ =	sdelay $0x3  }
0x98: {  	_ =	strace s17  }
0x99: {  	s3 =	sld [smem:$0x3FFC];
	_ =	sdelay $0x3  }
0x9a: {  	_ =	strace s3  }
0x9b: {  	s3 =	sld [smem:$0x3FFD];
	_ =	sdelay $0x3  }
0x9c: {  	_ =	strace s3  }
0x9d: {  	_ =	strace $0x8FFFFFFF  }
0x9e: {  	s18 =	sld [smem:$0x3FDB];
	_ =	sdelay $0x1  }
0x9f: {  	s19 =	simm.s32 $_scs_section_size  }
0xa0: {  	s5 =	simm.s32 $_size__tile_overlayer_lowered;
	s6 =	simm.s32 $_tile_overlayer_lowered  }
0xa1: {  	s22 =	simm.s32 $0x1BFF;
	s21 =	sshll.u32 s6, $0x1;
	s3 =	sadd.s32 s19, s18  }
0xa2: {  	s7 =	simm.s32 $0x0;
	s20 =	sshll.u32 s5, $0x1;
	s5 =	sadd.s32 s21, s3  }
0xa3: {  	[timem:s7], [sflag:s22] =	dma.local [hbm:s5], s20  }
0xa4: {  	_ =	swait.ge [sflag:s22], s20  }
0xa5: {  	s4 =	ssub.s32 $0x0, s20;
	[sflag:s22] =	ssyncset.done $0x0  }
0xa6: {  	[sflag:s22] =	ssyncadd.s32 s4;
	_ =	sdelay $0x1  }
0xa7: {  	s23 =	simm.s32 $0x1B8B  }
0xa8: {  	_ =	swait.ge [sflag:s23], $0x1  }
0xa9: {  	[sflag:s23] =	ssyncset.done $0x0  }
0xaa: {  	s25 =	simm.s32 $0x1B8E;
	s24 =	sld [smem:$0x3FFE];
	[sflag:s23] =	ssyncadd.s32 $0xFFFFFFFF  }
0xab: {  	s26 =	simm.s32 $execute0_lowered;
	[smem:$0x3FD2] =	sst s25  }
0xac: {  	s5 =	sshll.u32 s26, $0x1;
	_ =	strace $0x80000046;
	[dreg:$0x1] =	wrdreg $0xFFFFFFFF  }
0xad: {  	s28 =	simm.s32 $_size_execute0_lowered;
	s3 =	sadd.s32 s3, s5;
	[dreg:$0x0] =	wrdreg $0x0  }
0xae: {  	s5 =	sshll.u32 s28, $0x1;
	[dreg:$0x2] =	wrdreg s3  }
0xaf: {  	[dreg:$0x3] =	wrdreg s5  }
0xb0: {  	[dreg:$0x4] =	wrdreg $0xC0  }
0xb1: {  	_ =	task [dreg:s7], $0x5FFFF  }
0xb2: {  	[dreg:$0x1] =	wrdreg $0xFFFFFFFF  }
0xb3: {  	[dreg:$0x0] =	wrdreg $0x60  }
0xb4: {  	[dreg:$0x2] =	wrdreg s16  }
0xb5: {  	[dreg:$0x3] =	wrdreg s24  }
0xb6: {  	[dreg:$0x4] =	wrdreg $0x9  }
0xb7: {  	_ =	task.clear_ibuf [dreg:s7], $0x5FFFF;
	_ =	strace $0x90000046  }
0xb8: {  	s29 =	simm.s32 $0x9;
	_ =	strace $0x80000048  }
0xb9: {  	_ =	swait.ge [sflag:s29], $0x1  }
0xba: {  	[sflag:s29] =	ssyncadd.s32 $0xFFFFFFFF  }
0xbb: {  	_ =	strace $0x90000048  }
0xbc: {  	_ =	sfence  }
0xbd: {  	s30 =	sld [smem:$0x0];
	_ =	sdelay $0x2  }
0xbe: {  	s31 =	sshll.u32 s1, $0xD;
	s1 =	sshrl.u32 s1, $0x2  }
0xbf: {  	s3 =	sand.u32 $0x4000, s31;
	s1 =	sadd.s32 s1, s30  }
0xc0: {  	s0 =	sor.u32 s3, s0;
	s1 =	sshll.u32 s1, $0x11  }
0xc1: {  	s0 =	sor.u32 s1, s0  }
0xc2: {  	s0 =	sadd.s32 $0x8F2B, s0  }
0xc3: {  	[sflag:s0] =	ssyncadd.remote.s32 $0x1  }
0xc4: {  	_ =	sfence.sel $0xFFFF  }
0xc5: {  	[dreg:$0x0] =	wrdreg $0xFFFFFFFF;
	(pc) =	sbr.abs _section_cstart, $3  }
0xc6: {  	[dreg:$0x1] =	wrdreg $0xFFFFFFFF  }
0xc7: {  	_ =	task.clear_ibuf [dreg:s7], $0x2FFFF;
	_ =	strace $0x9FFFFFFF  }
0xc8: {  	(tm) =	ssettm $0x7FFFFFFF  }
0xc9: {  	_ =	shalt  }
tec
execute0_lowered:
.L_overlay_start_1:
0x0: {  	(tag) =	ssettag $0x1  }
0x1: {  	s1 =	srdreg.scid;
	s2 =	rddreg [dreg:$0x0]  }
0x2: {  	s0 =	stileid.u32;
	s7 =	rddreg [dreg:$0x1]  }
0x3: {  	s8 =	sand.u32 $0x1, s1;
	s28 =	sshll.u32 s0, $0x1;
	s9 =	sshrl.u32 s0, $0x2  }
0x4: {  	s4 =	simm.s32 $0x0;
	s1 =	sor.u32 s8, s28;
	s5 =	smul.u32 $0xFFFFFF38, s9  }
0x5: {  	s14 =	simm.s32 $0x19800;
	s15 =	simm.s32 $0x1C800;
	s3 =	smul.u32 $0x19, s1  }
0x6: {  	s16 =	simm.s32 $0x1;
	s17 =	simm.s32 $0x2;
	s18 =	smul.u32 $0xD0, s9  }
0x7: {  	[smem:$0x7FF] =	sst s4;
	s6 =	sadd.s32 $0x1400, s7;
	s10 =	sadd.s32 s5, s3  }
0x8: {  	s11 =	smul.u32 $0x4E2000, s9;
	s8 =	ssub.s32 $0x2, s8;
	s13 =	sadd.s32 s18, s10  }
0x9: {  	v1 =	vlaneseq.u32;
	s1 =	rddreg [dreg:$0x2];
	_ =	strace $0x80000047;
	s12 =	smul.u32 $0x6400, s10;
	v0 =	vmov s13  }
0xa: {  	s29 =	sshrl.u32 s8, $0x1;
	s5 =	sadd.s32 $0x1200, s7;
	s7 =	sadd.s32 $0x1600, s7;
	[tilespmem:$0x1FFC0] =	vst v0;
	v0 =	vmul.u32 $0x80, v1  }
0xb: {  	s13 =	simm.s32 $0x19480;
	s11 =	sadd.s32 s11, s12;
	s12 =	ssub.s32 s8, s29  }
0xc: {  	s30 =	sadd.s32 $0x3000, s11;
	s31 =	sshrl.u32 s11, $0x3;
	s10 =	smax.u32 s12, $0x1;
	[tilespmem:$0x1FFD0] =	vst v0;
	v0 =	vor.u32 $0xFFFFFFA0, v1  }
0xd: {  	s11 =	simm.s32 $0x3;
	s12 =	simm.s32 $0x19100;
	s9 =	sshrl.u32 s30, $0x3;
	[tilespmem:$0x1FFE0] =	vst v0;
	v0 =	vmov s18  }
0xe: {  	s8 =	sadd.s32 s7, s31;
	s9 =	sadd.s32 s7, s9;
	s18 =	simm.s32 $0x0;
	[tilespmem:$0x1FFF0] =	vst v0  }
.LBB2_1:
0xf: {  	[tilespmem:s4], [sflag:$0x3] =	stream.linear.gather [hbm4b:s2+s4], $0x19100, $0x38;
	[tilespmem:$0x1FC00] =	vst v63  }
0x10: {  	_ =	swait.ge [sflag:s11], $0x19100  }
0x11: {  	[sflag:s11] =	ssyncset.done $0x0  }
0x12: {  	[sflag:s11] =	ssyncadd.s32 $0xFFFE6F00  }
0x13: {  	[tilespmem:s12], [sflag:$0x3] =	stream.linear.gather [hbm4b:s5+s4], $0x380, $0x38;
	[tilespmem:$0x1FC00] =	vst v63  }
0x14: {  	_ =	swait.ge [sflag:s11], $0x380  }
0x15: {  	[sflag:s11] =	ssyncset.done $0x0  }
0x16: {  	[sflag:s11] =	ssyncadd.s32 $0xFFFFFC80  }
0x17: {  	[tilespmem:s13], [sflag:$0x3] =	stream.linear.gather [hbm4b:s6+s4], $0x380, $0x38;
	[tilespmem:$0x1FC00] =	vst v63  }
0x18: {  	_ =	swait.ge [sflag:s11], $0x380  }
0x19: {  	v0 =	vld [tilespmem:$0x1FFC0];
	_ =	sdelay $0x5  }
0x1a: {  	[sflag:s11] =	ssyncset.done $0x0  }
0x1b: {  	[sflag:s11] =	ssyncadd.s32 $0xFFFFFC80  }
0x1c: {  	v2 =	vld.idx.msk [tilespmem:v0+s12+$0x0], $0xffff  }
0x1d: {  	v0 =	vld.idx.msk [tilespmem:v0+s13+$0x0], $0xffff;
	_ =	sdelay $0x3  }
0x1e: {  	[tilespmem:$0x1FFA0] =	vst v2  }
0x1f: {  	s19 =	simm.s32 $0x0;
	[tilespmem:$0x1FFB0] =	vst v0  }
.LBB2_2:
0x20: {  	v0 =	vld [tilespmem:$0x1FFF0];
	_ =	sdelay $0x6  }
0x21: {  	s20 =	sshll.u32 s19, $0x4;
	v2 =	vld [tilespmem:$0x1FFB0]  }
0x22: {  	v9 =	vld.idx.msk [tilespmem:v0+s20+$0x19480 ss:$0x1], $0xffff  }
0x23: {  	v10 =	vld.idx.msk [tilespmem:v0+s20+$0x19100 ss:$0x1], $0xffff  }
0x24: {  	v0 =	vld [tilespmem:$0x1FFA0];
	_ =	sdelay $0x2  }
0x25: {  	s21 =	simm.s32 $0x7;
	s22 =	simm.s32 $0x4  }
0x26: {  	v11 =	vadd.s32 s21, v1;
	v12 =	vadd.s32 s22, v1;
	v8 =	vsub.s32 v2, v10  }
0x27: {  	v19 =	vand.u32 $0x3F, v11;
	v7 =	vsub.s32 v0, v9;
	v8 =	vshll.u32 v8, $0x6  }
0x28: {  	v25 =	vand.u32 $0x3F, v12;
	v7 =	vshll.u32 v7, $0x6;
	v8 =	vadd.s32 $0xFA80, v8  }
0x29: {  	v9 =	vsub.s32 v2, v9;
	v7 =	vadd.s32 $0x9640, v7;
	v11 =	vor.u32 v8, v19  }
0x2a: {  	v10 =	vsub.s32 v0, v10;
	v9 =	vshll.u32 v9, $0x6;
	v12 =	vor.u32 v7, v25  }
0x2b: {  	s25 =	simm.s32 $0x5;
	v10 =	vshll.u32 v10, $0x6;
	v9 =	vadd.s32 $0x15EC0, v9;
	v13 =	vor.u32 v8, v25  }
0x2c: {  	s26 =	simm.s32 $0x0;
	v14 =	vadd.s32 s25, v1;
	v10 =	vadd.s32 $0x3200, v10;
	v15 =	vor.u32 v9, v25  }
0x2d: {  	v17 =	vadd.s32 s26, v1;
	v16 =	vand.u32 $0x3F, v14;
	v0 =	vld [tilespmem:$0x1FFD0];
	v18 =	vor.u32 v10, v19  }
0x2e: {  	s28 =	simm.s32 $0x1;
	v27 =	vand.u32 $0x3F, v17;
	v14 =	vor.u32 v8, v16;
	v35 =	vld.idx.msk [tilespmem:v11+s4+$0x0], $0xffff  }
0x2f: {  	v17 =	vadd.s32 s28, v1;
	v21 =	vor.u32 v9, v27;
	v62 =	vld.idx.msk [tilespmem:v12+s4+$0x0], $0xffff  }
0x30: {  	v37 =	vand.u32 $0x3F, v17;
	v17 =	vor.u32 v7, v19;
	v38 =	vld.idx.msk [tilespmem:v13+s4+$0x0], $0xffff  }
0x31: {  	v29 =	vor.u32 v9, v19;
	v43 =	vld.idx.msk [tilespmem:v15+s4+$0x0], $0xffff  }
0x32: {  	v39 =	vor.u32 v10, v27;
	v28 =	vld.idx.msk [tilespmem:v18+s4+$0x0], $0xffff  }
0x33: {  	v13 =	vor.u32 v7, v37;
	v20 =	vld.idx.msk [tilespmem:v14+s4+$0x0], $0xffff  }
0x34: {  	s29 =	simm.s32 $0x3;
	v15 =	vor.u32 v10, v16;
	v23 =	vld.idx.msk [tilespmem:v21+s4+$0x0], $0xffff  }
0x35: {  	s30 =	simm.s32 $0x6;
	v12 =	vadd.s32 s29, v1;
	v18 =	vor.u32 v10, v37;
	v34 =	vld.idx.msk [tilespmem:v17+s4+$0x0], $0xffff  }
0x36: {  	v21 =	vor.u32 v10, v25;
	v14 =	vadd.s32 s30, v1;
	v52 =	vld.idx.msk [tilespmem:v29+s4+$0x0], $0xffff;
	v40 =	vand.u32 $0x3F, v12  }
0x37: {  	v39 =	vld.idx.msk [tilespmem:v39+s4+$0x0], $0xffff;
	v14 =	vand.u32 $0x3F, v14;
	v12 =	vor.u32 v10, v40  }
0x38: {  	v24 =	vmov s20;
	v30 =	vor.u32 v9, v14;
	v13 =	vld.idx.msk [tilespmem:v13+s4+$0x0], $0xffff  }
0x39: {  	vm0 =	vlt.u32 v24, $0x60;
	v26 =	vor.u32 v9, v37;
	v22 =	vor.u32 v7, v40;
	v17 =	vld.idx.msk [tilespmem:v15+s4+$0x0], $0xffff  }
0x3a: {  	v48 =	vor.u32 v8, v27;
	v53 =	vor.u32 v7, v16;
	v44 =	vor.u32 v7, v27;
	v18 =	vld.idx.msk [tilespmem:v18+s4+$0x0], $0xffff  }
0x3b: {  	s31 =	simm.s32 $0x2;
	v50 =	vor.u32 v9, v16;
	v47 =	vor.u32 v10, v14;
	v49 =	vor.u32 v8, v14;
	v31 =	vld.idx.msk [tilespmem:v21+s4+$0x0], $0xffff  }
0x3c: {  	v15 =	vor.u32 v7, v14;
	v41 =	vld.idx.msk [tilespmem:v12+s4+$0x0], $0xffff;
	v12 =	vshll.u32 v24, $0x7;
	v24 =	vadd.s32 s31, v1  }
0x3d: {  	v21 =	vor.u32 v8, v37;
	v42 =	vld.idx.msk [tilespmem:v30+s4+$0x0], $0xffff;
	v30 =	vor.u32 v9, v40;
	v51 =	vand.u32 $0x3F, v24  }
0x3e: {  	v46 =	vld.idx.msk [tilespmem:v22+s4+$0x0], $0xffff;
	v12 =	vor.u32 v0, v12;
	v24 =	vor.u32 v8, v40;
	v22 =	vor.u32 v10, v51  }
0x3f: {  	v48 =	vld.idx.msk [tilespmem:v48+s4+$0x0], $0xffff;
	v32 =	vor.u32 v7, v51;
	v36 =	vor.u32 v8, v51;
	v33 =	vor.u32 v9, v51  }
0x40: {  	v47 =	vld.idx.msk [tilespmem:v47+s4+$0x0], $0xffff;
	v54 =	vor.u32 v12, v27;
	v5 =	vor.u32 v12, v51;
	v27 =	vor.u32 v12, v25  }
0x41: {  	v25 =	vor.u32 v12, v19;
	v19 =	vor.u32 v12, v40;
	v40 =	vadd.f32 v43, v38;
	v43 =	vld.idx.msk [tilespmem:v53+s4+$0x0], $0xffff  }
0x42: {  	s20 =	simm.s32 $0x8;
	v45 =	vld.idx.msk [tilespmem:v15+s4+$0x0], $0xffff;
	v29 =	vadd.f32 v13, v18;
	v18 =	vor.u32 v12, v37;
	v37 =	vadd.f32 v52, v35  }
.LBB2_3:
0x43: {  	_ = 	snop  }
0x44: {  	v61 =	vld.idx.msk [tilespmem:v50+s4+$0x0], $0xffff  }
0x45: {  	v49 =	vld.idx.msk [tilespmem:v49+s4+$0x0], $0xffff  }
0x46: {  	v35 =	vadd.s32 s20, v1;
	s21 =	sadd.s32 $0x1, s20;
	v46 =	vadd.f32 v46, v41;
	v50 =	vor.u32 v12, v16;
	v44 =	vld.idx.msk [tilespmem:v44+s4+$0x0], $0xffff  }
0x47: {  	s22 =	sadd.s32 $0x2, s20;
	s29 =	sadd.s32 $0x4, s20;
	v28 =	vadd.f32 v34, v28;
	v53 =	vld.idx.msk [tilespmem:v36+s4+$0x0], $0xffff;
	v13 =	vor.u32 v12, v14;
	v16 =	vadd.s32 s21, v1  }
0x48: {  	[tilespmem:$0x1FF80] =	vst v54;
	s30 =	sadd.s32 $0x5, s20;
	v54 =	vld.idx.msk [tilespmem:v32+s4+$0x0], $0xffff;
	v51 =	vadd.s32 s22, v1;
	v35 =	vand.u32 $0x3F, v35;
	v63 =	vadd.s32 s29, v1  }
0x49: {  	s31 =	sadd.s32 $0x7, s20;
	v56 =	vld.idx.msk [tilespmem:v33+s4+$0x0], $0xffff;
	v52 =	vadd.s32 s30, v1;
	v38 =	vand.u32 $0x3F, v16;
	v55 =	vand.u32 $0x3F, v63  }
0x4a: {  	v34 =	vld.idx.msk [tilespmem:v26+s4+$0x0], $0xffff;
	v16 =	vadd.s32 s31, v1;
	v28 =	vadd.f32 v37, v28;
	v32 =	vor.u32 v7, v55  }
0x4b: {  	s23 =	sadd.s32 $0x3, s20;
	v37 =	vand.u32 $0x3F, v16;
	v58 =	vor.u32 v9, v55;
	v16 =	vand.u32 $0x3F, v52;
	v52 =	vld.idx.msk [tilespmem:v24+s4+$0x0], $0xffff  }
0x4c: {  	v36 =	vadd.s32 s23, v1;
	v63 =	vor.u32 v7, v38;
	v41 =	vadd.f32 v61, v20;
	v20 =	vld.idx.msk [tilespmem:v21+s4+$0x0], $0xffff  }
0x4d: {  	s24 =	sadd.s32 $0x6, s20;
	v48 =	vadd.f32 v23, v48;
	v23 =	vor.u32 v8, v37;
	v39 =	vadd.f32 v44, v39;
	v44 =	vld.idx.msk [tilespmem:v22+s4+$0x0], $0xffff  }
0x4e: {  	v59 =	vadd.s32 s24, v1;
	v0 =	vand.u32 $0x3F, v36;
	v33 =	vor.u32 v10, v37;
	v61 =	vld.idx.msk [tilespmem:v30+s4+$0x0], $0xffff  }
0x4f: {  	v51 =	vand.u32 $0x3F, v51;
	v4 =	vor.u32 v8, v16;
	v30 =	vadd.f32 v62, v31;
	v62 =	vld.idx.msk [tilespmem:v32+s4+$0x0], $0xffff  }
0x50: {  	v14 =	vand.u32 $0x3F, v59;
	v6 =	vor.u32 v10, v38;
	v31 =	vor.u32 v9, v35;
	v58 =	vld.idx.msk [tilespmem:v58+s4+$0x0], $0xffff  }
0x51: {  	v26 =	vor.u32 v9, v38;
	v3 =	vor.u32 v10, v16;
	v17 =	vadd.f32 v43, v17;
	v43 =	vld.idx.msk [tilespmem:v63+s4+$0x0], $0xffff  }
0x52: {  	v36 =	vor.u32 v8, v51;
	v42 =	vadd.f32 v42, v49;
	v49 =	vor.u32 v8, v55;
	v2 =	vld.idx.msk [tilespmem:v23+s4+$0x0], $0xffff  }
0x53: {  	v24 =	vor.u32 v8, v0;
	v60 =	vor.u32 v7, v37;
	v15 =	vmax.f32 v28, $0.0e+00;
	v28 =	vld.idx.msk [tilespmem:v33+s4+$0x0], $0xffff  }
0x54: {  	v59 =	vor.u32 v10, v14;
	v45 =	vadd.f32 v45, v47;
	v34 =	vadd.f32 v34, v20;
	v20 =	vld.idx.msk [tilespmem:v4+s4+$0x0], $0xffff  }
0x55: {  	v57 =	vor.u32 v9, v37;
	v56 =	vadd.f32 v56, v53;
	v4 =	vadd.f32 v40, v30;
	v23 =	vld.idx.msk [tilespmem:v31+s4+$0x0], $0xffff  }
0x56: {  	v47 =	vor.u32 v10, v55;
	v31 =	vadd.f32 v41, v17;
	v17 =	vld.idx.msk [tilespmem:v3+s4+$0x0], $0xffff;
	v3 =	vadd.f32 v54, v44  }
0x57: {  	v21 =	vor.u32 v8, v38;
	v11 =	vld.idx.msk [tilespmem:v49+s4+$0x0], $0xffff;
	v49 =	vor.u32 v10, v0;
	v29 =	vadd.f32 v34, v29  }
0x58: {  	v34 =	vld.idx.msk [tilespmem:v60+s4+$0x0], $0xffff;
	v4 =	vmax.f32 v4, $0.0e+00;
	[tilespmem:v25+s14+$0x0] =	vst.idx.msk vm0, v15;
	v3 =	vadd.f32 v56, v3  }
0x59: {  	v6 =	vld.idx.msk [tilespmem:v6+s4+$0x0], $0xffff;
	v40 =	vadd.f32 v42, v45;
	v42 =	vor.u32 v9, v14;
	[tilespmem:v27+s14+$0x0] =	vst.idx.msk vm0, v4  }
0x5a: {  	v22 =	vor.u32 v10, v51;
	v63 =	vld.idx.msk [tilespmem:v57+s4+$0x0], $0xffff;
	[tilespmem:$0x1FF90] =	vst v2;
	v2 =	vor.u32 v7, v0;
	v3 =	vmax.f32 v3, $0.0e+00  }
0x5b: {  	v39 =	vadd.f32 v48, v39;
	v52 =	vadd.f32 v61, v52;
	[tilespmem:v5+s14+$0x0] =	vst.idx.msk vm0, v3;
	v3 =	vld [tilespmem:$0x1FF80]  }
0x5c: {  	v45 =	vor.u32 v7, v14;
	v27 =	vmax.f32 v29, $0.0e+00;
	v29 =	vmax.f32 v31, $0.0e+00;
	v31 =	vld.idx.msk [tilespmem:v47+s4+$0x0], $0xffff  }
0x5d: {  	v32 =	vor.u32 v7, v51;
	v60 =	vadd.f32 v52, v46;
	v4 =	vor.u32 v10, v35;
	v41 =	vld.idx.msk [tilespmem:v49+s4+$0x0], $0xffff  }
0x5e: {  	v33 =	vor.u32 v9, v51;
	v30 =	vor.u32 v9, v0;
	v44 =	vor.u32 v7, v35;
	v42 =	vld.idx.msk [tilespmem:v42+s4+$0x0], $0xffff  }
0x5f: {  	v61 =	vor.u32 v8, v35;
	[tilespmem:v18+s14+$0x0] =	vst.idx.msk vm0, v27;
	v18 =	vmax.f32 v60, $0.0e+00;
	v46 =	vld.idx.msk [tilespmem:v2+s4+$0x0], $0xffff  }
0x60: {  	p0 =	slt.u32 s20, $0x38;
	v2 =	vor.u32 v7, v16;
	[tilespmem:v19+s14+$0x0] =	vst.idx.msk vm0, v18;
	v19 =	vor.u32 v12, v0;
	v0 =	vld [tilespmem:$0x1FF90]  }
.Ltmp0:
0x61: {  	v54 =	vor.u32 v12, v35;
	[tilespmem:v50+s14+$0x0] =	vst.idx.msk vm0, v29;
	v45 =	vld.idx.msk [tilespmem:v45+s4+$0x0], $0xffff;
	v18 =	vmax.f32 v40, $0.0e+00;
	(pc) =	sbr.rel @p0 .LBB2_3-.Ltmp0, $4  }
0x62: {  	v25 =	vmax.f32 v39, $0.0e+00;
	v50 =	vor.u32 v9, v16;
	v39 =	vld.idx.msk [tilespmem:v4+s4+$0x0], $0xffff;
	[tilespmem:v13+s14+$0x0] =	vst.idx.msk vm0, v18  }
0x63: {  	v49 =	vor.u32 v8, v14;
	v29 =	vadd.f32 v43, v6;
	v47 =	vld.idx.msk [tilespmem:v59+s4+$0x0], $0xffff;
	[tilespmem:v3+s14+$0x0] =	vst.idx.msk vm0, v25  }
0x64: {  	v5 =	vor.u32 v12, v51;
	v27 =	vor.u32 v12, v55;
	v40 =	vadd.f32 v58, v11;
	v48 =	vld.idx.msk [tilespmem:v61+s4+$0x0], $0xffff  }
0x65: {  	s20 =	sadd.s32 $0x8, s20;
	v18 =	vor.u32 v12, v38;
	v25 =	vor.u32 v12, v37;
	v43 =	vld.idx.msk [tilespmem:v2+s4+$0x0], $0xffff;
	v37 =	vadd.f32 v63, v0  }
0x66: {  	_ =	sdelay $0x3  }
0x67: {  	v0 =	vld.idx.msk [tilespmem:v50+s4+$0x0], $0xffff  }
0x68: {  	v2 =	vld.idx.msk [tilespmem:v49+s4+$0x0], $0xffff  }
0x69: {  	v3 =	vld.idx.msk [tilespmem:v36+s4+$0x0], $0xffff  }
0x6a: {  	v4 =	vld.idx.msk [tilespmem:v32+s4+$0x0], $0xffff  }
0x6b: {  	v15 =	vld.idx.msk [tilespmem:v26+s4+$0x0], $0xffff  }
0x6c: {  	v7 =	vld.idx.msk [tilespmem:v21+s4+$0x0], $0xffff  }
0x6d: {  	v6 =	vadd.f32 v34, v28;
	v8 =	vld.idx.msk [tilespmem:v30+s4+$0x0], $0xffff  }
0x6e: {  	v9 =	vadd.f32 v46, v41;
	v10 =	vld.idx.msk [tilespmem:v24+s4+$0x0], $0xffff;
	v52 =	vadd.f32 v62, v31  }
0x6f: {  	v13 =	vld.idx.msk [tilespmem:v22+s4+$0x0], $0xffff;
	v6 =	vadd.f32 v37, v6;
	v55 =	vadd.f32 v45, v47  }
0x70: {  	v56 =	vld.idx.msk [tilespmem:v44+s4+$0x0], $0xffff;
	v21 =	vadd.f32 v40, v52;
	v11 =	vadd.f32 v23, v48  }
0x71: {  	v53 =	vld.idx.msk [tilespmem:v33+s4+$0x0], $0xffff;
	v16 =	vor.u32 v12, v16;
	v17 =	vadd.f32 v43, v17;
	v0 =	vadd.f32 v0, v20  }
0x72: {  	v57 =	vor.u32 v12, v14;
	v2 =	vadd.f32 v42, v2;
	v15 =	vadd.f32 v15, v7  }
0x73: {  	v58 =	vmax.f32 v21, $0.0e+00;
	v8 =	vadd.f32 v8, v10;
	v0 =	vadd.f32 v0, v17  }
0x74: {  	v6 =	vmax.f32 v6, $0.0e+00;
	v4 =	vadd.f32 v4, v13;
	[tilespmem:v27+s14+$0x0] =	vst.idx.msk vm0, v58;
	v59 =	vadd.f32 v15, v29  }
0x75: {  	s19 =	sadd.s32 $0x1, s19;
	[tilespmem:v25+s14+$0x0] =	vst.idx.msk vm0, v6;
	v61 =	vadd.f32 v56, v39;
	v2 =	vadd.f32 v2, v55;
	v0 =	vmax.f32 v0, $0.0e+00  }
0x76: {  	p0 =	sne.s32 s19, $0x6;
	v3 =	vadd.f32 v53, v3;
	v60 =	vadd.f32 v8, v9;
	v62 =	vmax.f32 v59, $0.0e+00;
	[tilespmem:v16+s14+$0x0] =	vst.idx.msk vm0, v0  }
.Ltmp1:
0x77: {  	v63 =	vadd.f32 v11, v61;
	v2 =	vmax.f32 v2, $0.0e+00;
	[tilespmem:v18+s14+$0x0] =	vst.idx.msk vm0, v62;
	(pc) =	sbr.rel @p0 .LBB2_2-.Ltmp1, $4  }
0x78: {  	v0 =	vadd.f32 v3, v4;
	v3 =	vmax.f32 v60, $0.0e+00;
	[tilespmem:v57+s14+$0x0] =	vst.idx.msk vm0, v2  }
0x79: {  	v2 =	vmax.f32 v63, $0.0e+00;
	[tilespmem:v19+s14+$0x0] =	vst.idx.msk vm0, v3  }
0x7a: {  	[tilespmem:v54+s14+$0x0] =	vst.idx.msk vm0, v2;
	v0 =	vmax.f32 v0, $0.0e+00  }
0x7b: {  	[tilespmem:v5+s14+$0x0] =	vst.idx.msk vm0, v0  }
0x7c: {  	[hbm4b:s8+s4] =	stream.linear.scatter [tilespmem:s14], [sflag:$0x1], $0x3000, $0x38;
	[tilespmem:$0x1FC00] =	vst v63  }
0x7d: {  	s19 =	simm.s32 $0x6  }
.LBB2_6:
0x7e: {  	v2 =	vld [tilespmem:$0x1FFF0];
	_ =	sdelay $0x5  }
0x7f: {  	v6 =	vld [tilespmem:$0x1FFA0]  }
0x80: {  	s20 =	sshll.u32 s19, $0x4;
	v5 =	vld [tilespmem:$0x1FFB0]  }
0x81: {  	v0 =	vld.idx.msk [tilespmem:v2+s20+$0x19480 ss:$0x1], $0xffff  }
0x82: {  	v2 =	vld.idx.msk [tilespmem:v2+s20+$0x19100 ss:$0x1], $0xffff;
	_ =	sdelay $0x3  }
0x83: {  	s26 =	simm.s32 $0x0  }
0x84: {  	v11 =	vadd.s32 s26, v1;
	v3 =	vsub.s32 v6, v0;
	v4 =	vsub.s32 v5, v2  }
0x85: {  	s21 =	simm.s32 $0x7;
	v0 =	vsub.s32 v5, v0;
	v2 =	vsub.s32 v6, v2;
	v3 =	vshll.u32 v3, $0x6  }
0x86: {  	v7 =	vadd.s32 $0x9640, v3;
	v3 =	vshll.u32 v4, $0x6;
	v4 =	vadd.s32 s21, v1  }
0x87: {  	s25 =	simm.s32 $0x5;
	v2 =	vshll.u32 v2, $0x6;
	v8 =	vadd.s32 $0xFA80, v3;
	v4 =	vand.u32 $0x3F, v4  }
0x88: {  	s22 =	simm.s32 $0x4;
	v10 =	vadd.s32 $0x3200, v2;
	v2 =	vadd.s32 s25, v1;
	v5 =	vor.u32 v8, v4  }
0x89: {  	v3 =	vadd.s32 s22, v1;
	v16 =	vand.u32 $0x3F, v2;
	v13 =	vor.u32 v10, v4  }
0x8a: {  	v0 =	vshll.u32 v0, $0x6;
	v3 =	vand.u32 $0x3F, v3;
	v14 =	vor.u32 v8, v16  }
0x8b: {  	v9 =	vadd.s32 $0x15EC0, v0;
	v2 =	vand.u32 $0x3F, v11;
	v6 =	vor.u32 v7, v3  }
0x8c: {  	v17 =	vor.u32 v9, v2  }
0x8d: {  	v12 =	vor.u32 v9, v3;
	v5 =	vld.idx.msk [tilespmem:v5+s4+$0x0], $0xffff  }
0x8e: {  	s28 =	simm.s32 $0x1;
	v18 =	vor.u32 v7, v4;
	v28 =	vld.idx.msk [tilespmem:v13+s4+$0x0], $0xffff  }
0x8f: {  	s29 =	simm.s32 $0x3;
	v15 =	vadd.s32 s28, v1;
	v24 =	vor.u32 v9, v4;
	v20 =	vld.idx.msk [tilespmem:v14+s4+$0x0], $0xffff  }
0x90: {  	v0 =	vor.u32 v8, v3;
	v11 =	vld.idx.msk [tilespmem:v6+s4+$0x0], $0xffff;
	v6 =	vand.u32 $0x3F, v15;
	v15 =	vadd.s32 s29, v1  }
0x91: {  	v13 =	vor.u32 v10, v16;
	v23 =	vld.idx.msk [tilespmem:v17+s4+$0x0], $0xffff;
	v35 =	vand.u32 $0x3F, v15  }
0x92: {  	v37 =	vld.idx.msk [tilespmem:v12+s4+$0x0], $0xffff;
	v12 =	vor.u32 v10, v35  }
0x93: {  	v34 =	vld.idx.msk [tilespmem:v18+s4+$0x0], $0xffff  }
0x94: {  	v51 =	vld.idx.msk [tilespmem:v24+s4+$0x0], $0xffff;
	v19 =	vor.u32 v7, v6  }
0x95: {  	s30 =	simm.s32 $0x6;
	v0 =	vld.idx.msk [tilespmem:v0+s4+$0x0], $0xffff;
	v15 =	vor.u32 v10, v6  }
0x96: {  	v21 =	vor.u32 v10, v3;
	v14 =	vadd.s32 s30, v1;
	v17 =	vld.idx.msk [tilespmem:v13+s4+$0x0], $0xffff  }
0x97: {  	v27 =	vor.u32 v10, v2;
	v14 =	vand.u32 $0x3F, v14;
	v41 =	vld.idx.msk [tilespmem:v12+s4+$0x0], $0xffff  }
0x98: {  	v40 =	vor.u32 v10, v14;
	v12 =	vld [tilespmem:$0x1FFE0]  }
0x99: {  	v43 =	vor.u32 v8, v2;
	v52 =	vor.u32 v7, v16;
	v44 =	vor.u32 v7, v2;
	v19 =	vld.idx.msk [tilespmem:v19+s4+$0x0], $0xffff  }
0x9a: {  	v50 =	vor.u32 v9, v16;
	v25 =	vor.u32 v9, v14;
	v13 =	vor.u32 v7, v14;
	v15 =	vld.idx.msk [tilespmem:v15+s4+$0x0], $0xffff  }
0x9b: {  	v31 =	vld.idx.msk [tilespmem:v21+s4+$0x0], $0xffff;
	v21 =	vor.u32 v8, v6;
	v26 =	vor.u32 v9, v6;
	v18 =	vor.u32 v7, v35  }
0x9c: {  	v39 =	vld.idx.msk [tilespmem:v27+s4+$0x0], $0xffff;
	v49 =	vor.u32 v8, v14;
	v24 =	vor.u32 v8, v35;
	v30 =	vor.u32 v9, v35  }
0x9d: {  	s31 =	simm.s32 $0x2;
	v47 =	vld.idx.msk [tilespmem:v40+s4+$0x0], $0xffff;
	v40 =	vadd.f32 v37, v0;
	v37 =	vadd.f32 v51, v5;
	v22 =	vadd.s32 s20, v12  }
0x9e: {  	v48 =	vld.idx.msk [tilespmem:v43+s4+$0x0], $0xffff;
	v12 =	vshll.u32 v22, $0x7;
	vm0 =	vlt.s32 v22, $0x68;
	v22 =	vadd.s32 s31, v1  }
0x9f: {  	v45 =	vld.idx.msk [tilespmem:v13+s4+$0x0], $0xffff;
	v29 =	vadd.f32 v19, v15;
	v38 =	vand.u32 $0x3F, v22;
	v13 =	vor.u32 v12, v2  }
0xa0: {  	v46 =	vld.idx.msk [tilespmem:v18+s4+$0x0], $0xffff;
	v18 =	vor.u32 v12, v6;
	v27 =	vor.u32 v12, v3;
	v36 =	vor.u32 v8, v38  }
0xa1: {  	v42 =	vld.idx.msk [tilespmem:v25+s4+$0x0], $0xffff;
	v25 =	vor.u32 v12, v4;
	v19 =	vor.u32 v12, v35;
	v32 =	vor.u32 v7, v38  }
0xa2: {  	v43 =	vld.idx.msk [tilespmem:v52+s4+$0x0], $0xffff;
	s20 =	simm.s32 $0x8;
	v22 =	vor.u32 v10, v38;
	v33 =	vor.u32 v9, v38;
	v15 =	vor.u32 v12, v38  }
.LBB2_7:
0xa3: {  	v3 =	vld.idx.msk [tilespmem:v50+s4+$0x0], $0xffff  }
0xa4: {  	v62 =	vld.idx.msk [tilespmem:v44+s4+$0x0], $0xffff  }
0xa5: {  	v44 =	vld.idx.msk [tilespmem:v36+s4+$0x0], $0xffff  }
0xa6: {  	v0 =	vadd.s32 s20, v1;
	s21 =	sadd.s32 $0x1, s20;
	v2 =	vadd.f32 v46, v41;
	s29 =	sadd.s32 $0x4, s20;
	v28 =	vadd.f32 v34, v28;
	v46 =	vld.idx.msk [tilespmem:v32+s4+$0x0], $0xffff  }
0xa7: {  	s23 =	sadd.s32 $0x3, s20;
	v53 =	vld.idx.msk [tilespmem:v22+s4+$0x0], $0xffff;
	v5 =	vadd.s32 s21, v1;
	v35 =	vand.u32 $0x3F, v0;
	v0 =	vadd.s32 s29, v1  }
0xa8: {  	s31 =	sadd.s32 $0x7, s20;
	v55 =	vld.idx.msk [tilespmem:v30+s4+$0x0], $0xffff;
	v63 =	vadd.s32 s23, v1;
	[tilespmem:$0x1FF60] =	vst v2;
	v2 =	vor.u32 v12, v16;
	v0 =	vand.u32 $0x3F, v0  }
0xa9: {  	v56 =	vld.idx.msk [tilespmem:v24+s4+$0x0], $0xffff;
	v38 =	vand.u32 $0x3F, v5;
	v5 =	vadd.s32 s31, v1;
	v32 =	vor.u32 v7, v0  }
0xaa: {  	v16 =	vld.idx.msk [tilespmem:v49+s4+$0x0], $0xffff;
	v28 =	vadd.f32 v37, v28;
	v59 =	vand.u32 $0x3F, v63;
	v51 =	vor.u32 v8, v0  }
0xab: {  	v37 =	vand.u32 $0x3F, v5;
	v52 =	vor.u32 v9, v0;
	v5 =	vadd.f32 v23, v48;
	v48 =	vld.idx.msk [tilespmem:v33+s4+$0x0], $0xffff  }
0xac: {  	[tilespmem:$0x1FF70] =	vst v2;
	v2 =	vor.u32 v10, v59;
	v45 =	vadd.f32 v45, v47;
	v47 =	vld.idx.msk [tilespmem:v26+s4+$0x0], $0xffff  }
0xad: {  	v23 =	vor.u32 v8, v37;
	v3 =	vadd.f32 v3, v20;
	v20 =	vld.idx.msk [tilespmem:v21+s4+$0x0], $0xffff  }
0xae: {  	s22 =	sadd.s32 $0x2, s20;
	v33 =	vor.u32 v10, v37;
	v30 =	vadd.f32 v11, v31;
	v11 =	vld.idx.msk [tilespmem:v32+s4+$0x0], $0xffff  }
0xaf: {  	s24 =	sadd.s32 $0x6, s20;
	v4 =	vor.u32 v12, v14;
	v6 =	vadd.s32 s22, v1;
	v31 =	vor.u32 v9, v35;
	v51 =	vld.idx.msk [tilespmem:v51+s4+$0x0], $0xffff  }
0xb0: {  	s30 =	sadd.s32 $0x5, s20;
	v41 =	vadd.s32 s24, v1;
	v39 =	vadd.f32 v62, v39;
	v62 =	vor.u32 v7, v59;
	v52 =	vld.idx.msk [tilespmem:v52+s4+$0x0], $0xffff  }
0xb1: {  	v61 =	vadd.s32 s30, v1;
	v6 =	vand.u32 $0x3F, v6;
	v14 =	vand.u32 $0x3F, v41;
	v41 =	vld.idx.msk [tilespmem:v2+s4+$0x0], $0xffff  }
0xb2: {  	v49 =	vor.u32 v10, v0;
	v58 =	vor.u32 v7, v38;
	v22 =	vor.u32 v10, v6;
	v60 =	vld.idx.msk [tilespmem:v23+s4+$0x0], $0xffff  }
0xb3: {  	v36 =	vor.u32 v8, v6;
	v57 =	vmax.f32 v28, $0.0e+00;
	v40 =	vadd.f32 v40, v30;
	v28 =	vld.idx.msk [tilespmem:v33+s4+$0x0], $0xffff  }
0xb4: {  	v42 =	vadd.f32 v42, v16;
	v16 =	vand.u32 $0x3F, v61;
	v61 =	vor.u32 v10, v38;
	v23 =	vld.idx.msk [tilespmem:v31+s4+$0x0], $0xffff  }
0xb5: {  	v24 =	vor.u32 v8, v59;
	v53 =	vadd.f32 v46, v53;
	v31 =	vmax.f32 v40, $0.0e+00;
	v46 =	vld.idx.msk [tilespmem:v62+s4+$0x0], $0xffff  }
0xb6: {  	v34 =	vor.u32 v8, v16;
	v47 =	vadd.f32 v47, v20;
	[tilespmem:v27+s15+$0x0] =	vst.idx.msk vm0, v31;
	v62 =	vld [tilespmem:$0x1FF70]  }
0xb7: {  	v50 =	vor.u32 v9, v37;
	v54 =	vor.u32 v7, v37;
	v26 =	vor.u32 v9, v38;
	v31 =	vld.idx.msk [tilespmem:v49+s4+$0x0], $0xffff  }
0xb8: {  	v17 =	vadd.f32 v43, v17;
	v63 =	vor.u32 v10, v16;
	v29 =	vadd.f32 v47, v29;
	v47 =	vld.idx.msk [tilespmem:v58+s4+$0x0], $0xffff  }
0xb9: {  	v5 =	vadd.f32 v5, v39;
	v39 =	vadd.f32 v55, v56;
	v2 =	vor.u32 v9, v14;
	v56 =	vld.idx.msk [tilespmem:v61+s4+$0x0], $0xffff  }
0xba: {  	v21 =	vor.u32 v8, v38;
	v43 =	vadd.f32 v42, v45;
	v45 =	vor.u32 v7, v14;
	v58 =	vld [tilespmem:$0x1FF60]  }
0xbb: {  	v30 =	vor.u32 v9, v59;
	v3 =	vadd.f32 v3, v17;
	v32 =	vor.u32 v7, v6;
	v20 =	vld.idx.msk [tilespmem:v34+s4+$0x0], $0xffff  }
0xbc: {  	v33 =	vor.u32 v9, v6;
	v55 =	vadd.f32 v48, v44;
	v44 =	vor.u32 v7, v35;
	v34 =	vld.idx.msk [tilespmem:v54+s4+$0x0], $0xffff  }
0xbd: {  	v27 =	vor.u32 v10, v35;
	v49 =	vor.u32 v8, v14;
	v54 =	vor.u32 v10, v14;
	v17 =	vld.idx.msk [tilespmem:v63+s4+$0x0], $0xffff  }
0xbe: {  	v3 =	vmax.f32 v3, $0.0e+00;
	v61 =	vor.u32 v8, v35;
	[tilespmem:v25+s15+$0x0] =	vst.idx.msk vm0, v57;
	v42 =	vld.idx.msk [tilespmem:v2+s4+$0x0], $0xffff;
	v2 =	vmax.f32 v43, $0.0e+00  }
0xbf: {  	v25 =	vadd.f32 v55, v53;
	v40 =	vadd.f32 v52, v51;
	v45 =	vld.idx.msk [tilespmem:v45+s4+$0x0], $0xffff;
	[tilespmem:v4+s15+$0x0] =	vst.idx.msk vm0, v2  }
0xc0: {  	p0 =	slt.u32 s20, $0x38;
	v5 =	vmax.f32 v5, $0.0e+00;
	v29 =	vmax.f32 v29, $0.0e+00;
	v63 =	vld.idx.msk [tilespmem:v50+s4+$0x0], $0xffff;
	[tilespmem:v62+s15+$0x0] =	vst.idx.msk vm0, v3;
	v3 =	vor.u32 v7, v16  }
.Ltmp2:
0xc1: {  	v50 =	vor.u32 v9, v16;
	[tilespmem:v18+s15+$0x0] =	vst.idx.msk vm0, v29;
	v18 =	vmax.f32 v25, $0.0e+00;
	v39 =	vadd.f32 v39, v58;
	(pc) =	sbr.rel @p0 .LBB2_7-.Ltmp2, $4  }
0xc2: {  	[tilespmem:v15+s15+$0x0] =	vst.idx.msk vm0, v18;
	v18 =	vor.u32 v12, v38;
	v29 =	vadd.f32 v47, v56;
	v47 =	vld.idx.msk [tilespmem:v54+s4+$0x0], $0xffff  }
0xc3: {  	v15 =	vor.u32 v12, v6;
	v25 =	vmax.f32 v39, $0.0e+00;
	v39 =	vld.idx.msk [tilespmem:v27+s4+$0x0], $0xffff;
	[tilespmem:v13+s15+$0x0] =	vst.idx.msk vm0, v5  }
0xc4: {  	v13 =	vor.u32 v12, v35;
	v27 =	vor.u32 v12, v0;
	[tilespmem:v19+s15+$0x0] =	vst.idx.msk vm0, v25;
	v48 =	vld.idx.msk [tilespmem:v61+s4+$0x0], $0xffff  }
0xc5: {  	s20 =	sadd.s32 $0x8, s20;
	v25 =	vor.u32 v12, v37;
	v19 =	vor.u32 v12, v59;
	v37 =	vadd.f32 v63, v60;
	v43 =	vld.idx.msk [tilespmem:v3+s4+$0x0], $0xffff  }
0xc6: {  	_ =	sdelay $0x3  }
0xc7: {  	v0 =	vld.idx.msk [tilespmem:v50+s4+$0x0], $0xffff  }
0xc8: {  	v2 =	vld.idx.msk [tilespmem:v49+s4+$0x0], $0xffff  }
0xc9: {  	v3 =	vld.idx.msk [tilespmem:v36+s4+$0x0], $0xffff  }
0xca: {  	v4 =	vld.idx.msk [tilespmem:v32+s4+$0x0], $0xffff  }
0xcb: {  	v5 =	vld.idx.msk [tilespmem:v26+s4+$0x0], $0xffff  }
0xcc: {  	v7 =	vld.idx.msk [tilespmem:v21+s4+$0x0], $0xffff  }
0xcd: {  	v6 =	vadd.f32 v34, v28;
	v8 =	vld.idx.msk [tilespmem:v30+s4+$0x0], $0xffff  }
0xce: {  	v9 =	vadd.f32 v46, v41;
	v10 =	vld.idx.msk [tilespmem:v24+s4+$0x0], $0xffff;
	v11 =	vadd.f32 v11, v31  }
0xcf: {  	v22 =	vld.idx.msk [tilespmem:v22+s4+$0x0], $0xffff;
	v57 =	vadd.f32 v45, v47;
	v6 =	vadd.f32 v37, v6  }
0xd0: {  	v58 =	vld.idx.msk [tilespmem:v44+s4+$0x0], $0xffff;
	v11 =	vadd.f32 v40, v11;
	v55 =	vadd.f32 v23, v48  }
0xd1: {  	v56 =	vld.idx.msk [tilespmem:v33+s4+$0x0], $0xffff;
	v16 =	vor.u32 v12, v16;
	v17 =	vadd.f32 v43, v17;
	v0 =	vadd.f32 v0, v20  }
0xd2: {  	v59 =	vor.u32 v12, v14;
	v2 =	vadd.f32 v42, v2;
	v5 =	vadd.f32 v5, v7  }
0xd3: {  	v60 =	vmax.f32 v11, $0.0e+00;
	v8 =	vadd.f32 v8, v10;
	v0 =	vadd.f32 v0, v17  }
0xd4: {  	v6 =	vmax.f32 v6, $0.0e+00;
	v4 =	vadd.f32 v4, v22;
	[tilespmem:v27+s15+$0x0] =	vst.idx.msk vm0, v60;
	v5 =	vadd.f32 v5, v29  }
0xd5: {  	s19 =	sadd.s32 $0x1, s19;
	[tilespmem:v25+s15+$0x0] =	vst.idx.msk vm0, v6;
	v62 =	vadd.f32 v58, v39;
	v2 =	vadd.f32 v2, v57;
	v0 =	vmax.f32 v0, $0.0e+00  }
0xd6: {  	p0 =	sne.s32 s19, $0xD;
	v3 =	vadd.f32 v56, v3;
	v61 =	vadd.f32 v8, v9;
	v5 =	vmax.f32 v5, $0.0e+00;
	[tilespmem:v16+s15+$0x0] =	vst.idx.msk vm0, v0  }
.Ltmp3:
0xd7: {  	v63 =	vadd.f32 v55, v62;
	v2 =	vmax.f32 v2, $0.0e+00;
	[tilespmem:v18+s15+$0x0] =	vst.idx.msk vm0, v5;
	(pc) =	sbr.rel @p0 .LBB2_6-.Ltmp3, $4  }
0xd8: {  	v0 =	vadd.f32 v3, v4;
	v3 =	vmax.f32 v61, $0.0e+00;
	[tilespmem:v59+s15+$0x0] =	vst.idx.msk vm0, v2  }
0xd9: {  	v2 =	vmax.f32 v63, $0.0e+00;
	[tilespmem:v19+s15+$0x0] =	vst.idx.msk vm0, v3  }
0xda: {  	[tilespmem:v13+s15+$0x0] =	vst.idx.msk vm0, v2;
	v0 =	vmax.f32 v0, $0.0e+00  }
0xdb: {  	[tilespmem:v15+s15+$0x0] =	vst.idx.msk vm0, v0  }
0xdc: {  	[hbm4b:s9+s4] =	stream.linear.scatter [tilespmem:s15], [sflag:$0x2], $0x3400, $0x38;
	[tilespmem:$0x1FC00] =	vst v63  }
0xdd: {  	s19 =	simm.s32 $0x1  }
.LBB2_10:
0xde: {  	s20 =	sadd.s32 s3, s19  }
0xdf: {  	s21 =	smulhi.u32 $0x51EB851F, s20;
	_ =	sdelay $0x1  }
0xe0: {  	s21 =	sshrl.u32 s21, $0x6  }
0xe1: {  	s22 =	smul.u32 $0xFFFFFF38, s21  }
0xe2: {  	s23 =	smul.u32 $0xD0, s21  }
0xe3: {  	s20 =	sadd.s32 s20, s22  }
0xe4: {  	s22 =	sadd.s32 s23, s20  }
0xe5: {  	v0 =	vmov s22;
	_ =	sdelay $0x4  }
0xe6: {  	v1 =	vld.idx.msk [tilespmem:v0+s12+$0x0], $0xffff  }
0xe7: {  	v0 =	vld.idx.msk [tilespmem:v0+s13+$0x0], $0xffff;
	_ =	sdelay $0x2  }
0xe8: {  	s21 =	smul.u32 $0x4E2000, s21  }
0xe9: {  	s20 =	smul.u32 $0x6400, s20;
	[tilespmem:$0x1FF30] =	vst v1  }
0xea: {  	[tilespmem:$0x1FF40] =	vst v0  }
0xeb: {  	s20 =	sadd.s32 s21, s20;
	_ =	swait.ge [sflag:s16], $0x3000  }
0xec: {  	v63 =	vmov s23;
	s23 =	simm.s32 $0x0;
	s21 =	sshrl.u32 s20, $0x3;
	[sflag:s16] =	ssyncset.done $0x0  }
0xed: {  	s22 =	simm.s32 $0x0;
	s21 =	sadd.s32 s7, s21;
	[tilespmem:$0x1FF50] =	vst v63;
	[sflag:s16] =	ssyncadd.s32 $0xFFFFD000  }
.LBB2_11:
0xee: {  	v1 =	vld [tilespmem:$0x1FF50];
	_ =	sdelay $0x5  }
0xef: {  	v5 =	vld [tilespmem:$0x1FF30]  }
0xf0: {  	s24 =	sshll.u32 s23, $0x4;
	v6 =	vld [tilespmem:$0x1FF40]  }
0xf1: {  	v0 =	vld.idx.msk [tilespmem:v1+s24+$0x19480 ss:$0x1], $0xffff  }
0xf2: {  	v2 =	vld.idx.msk [tilespmem:v1+s24+$0x19100 ss:$0x1], $0xffff  }
0xf3: {  	v7 =	vlaneseq.u32  }
0xf4: {  	s28 =	simm.s32 $0x1;
	v15 =	vadd.s32 s22, v7  }
0xf5: {  	v18 =	vadd.s32 s28, v7;
	v63 =	vand.u32 $0x3F, v15  }
0xf6: {  	v20 =	vand.u32 $0x3F, v18;
	v3 =	vsub.s32 v5, v0;
	v0 =	vsub.s32 v6, v0  }
0xf7: {  	v4 =	vsub.s32 v6, v2;
	v2 =	vsub.s32 v5, v2;
	v0 =	vshll.u32 v0, $0x6  }
0xf8: {  	v3 =	vshll.u32 v3, $0x6;
	v2 =	vshll.u32 v2, $0x6;
	v10 =	vadd.s32 $0x15EC0, v0  }
0xf9: {  	s25 =	simm.s32 $0x7;
	v8 =	vadd.s32 $0x9640, v3;
	v3 =	vshll.u32 v4, $0x6;
	v19 =	vor.u32 v10, v63  }
0xfa: {  	v4 =	vadd.s32 s25, v7;
	v11 =	vadd.s32 $0x3200, v2;
	v22 =	vor.u32 v8, v20  }
0xfb: {  	v9 =	vadd.s32 $0xFA80, v3;
	v60 =	vand.u32 $0x3F, v4;
	v30 =	vor.u32 v11, v63  }
0xfc: {  	v12 =	vor.u32 v9, v60  }
0xfd: {  	v5 =	vld [tilespmem:$0x1FFD0];
	v16 =	vor.u32 v11, v60  }
0xfe: {  	s26 =	simm.s32 $0x4;
	v18 =	vor.u32 v8, v60;
	v24 =	vld.idx.msk [tilespmem:v19+s4+$0x0], $0xffff  }
0xff: {  	v3 =	vadd.s32 s26, v7;
	v25 =	vor.u32 v10, v60;
	v26 =	vld.idx.msk [tilespmem:v22+s4+$0x0], $0xffff  }
0x100: {  	s26 =	simm.s32 $0x5;
	v3 =	vand.u32 $0x3F, v3;
	v49 =	vor.u32 v9, v63;
	v40 =	vld.idx.msk [tilespmem:v30+s4+$0x0], $0xffff  }
0x101: {  	v62 =	vadd.s32 s26, v7;
	v13 =	vor.u32 v8, v3;
	v36 =	vld.idx.msk [tilespmem:v12+s4+$0x0], $0xffff  }
0x102: {  	v14 =	vor.u32 v10, v3;
	v17 =	vand.u32 $0x3F, v62;
	v29 =	vld.idx.msk [tilespmem:v16+s4+$0x0], $0xffff  }
0x103: {  	v15 =	vor.u32 v9, v17;
	v35 =	vld.idx.msk [tilespmem:v18+s4+$0x0], $0xffff  }
0x104: {  	v61 =	vor.u32 v9, v3;
	v52 =	vld.idx.msk [tilespmem:v25+s4+$0x0], $0xffff  }
0x105: {  	s29 =	simm.s32 $0x3;
	v19 =	vor.u32 v11, v3;
	v49 =	vld.idx.msk [tilespmem:v49+s4+$0x0], $0xffff  }
0x106: {  	s31 =	simm.s32 $0x2;
	v16 =	vor.u32 v11, v20;
	v4 =	vld.idx.msk [tilespmem:v13+s4+$0x0], $0xffff;
	v13 =	vadd.s32 s29, v7  }
0x107: {  	s30 =	simm.s32 $0x6;
	v27 =	vadd.s32 s31, v7;
	v39 =	vld.idx.msk [tilespmem:v14+s4+$0x0], $0xffff;
	v14 =	vor.u32 v11, v17;
	v38 =	vand.u32 $0x3F, v13  }
0x108: {  	v41 =	vand.u32 $0x3F, v27;
	v21 =	vld.idx.msk [tilespmem:v15+s4+$0x0], $0xffff;
	v15 =	vadd.s32 s30, v7;
	v13 =	vor.u32 v11, v38  }
0x109: {  	v27 =	vor.u32 v10, v20;
	v0 =	vld.idx.msk [tilespmem:v61+s4+$0x0], $0xffff;
	v23 =	vor.u32 v8, v38;
	v15 =	vand.u32 $0x3F, v15  }
0x10a: {  	v33 =	vor.u32 v8, v41;
	v34 =	vor.u32 v10, v41;
	v28 =	vor.u32 v10, v15;
	v32 =	vld.idx.msk [tilespmem:v19+s4+$0x0], $0xffff  }
0x10b: {  	v45 =	vor.u32 v8, v63;
	v37 =	vor.u32 v9, v41;
	v44 =	vor.u32 v11, v15;
	v16 =	vld.idx.msk [tilespmem:v16+s4+$0x0], $0xffff  }
0x10c: {  	v53 =	vor.u32 v8, v17;
	v51 =	vor.u32 v10, v17;
	v22 =	vmov s24;
	v18 =	vld.idx.msk [tilespmem:v14+s4+$0x0], $0xffff  }
0x10d: {  	vm0 =	vlt.u32 v22, $0x60;
	v25 =	vor.u32 v9, v38;
	v14 =	vor.u32 v8, v15;
	v42 =	vld.idx.msk [tilespmem:v13+s4+$0x0], $0xffff  }
0x10e: {  	v31 =	vor.u32 v10, v38;
	v50 =	vor.u32 v9, v15;
	v13 =	vshll.u32 v22, $0x7;
	v47 =	vld.idx.msk [tilespmem:v23+s4+$0x0], $0xffff  }
0x10f: {  	v22 =	vor.u32 v9, v20;
	v23 =	vor.u32 v11, v41;
	v13 =	vor.u32 v5, v13;
	v43 =	vld.idx.msk [tilespmem:v28+s4+$0x0], $0xffff  }
0x110: {  	v48 =	vld.idx.msk [tilespmem:v44+s4+$0x0], $0xffff;
	v30 =	vadd.f32 v26, v16;
	v19 =	vor.u32 v13, v20;
	v16 =	vor.u32 v13, v41  }
0x111: {  	v44 =	vld.idx.msk [tilespmem:v53+s4+$0x0], $0xffff;
	v28 =	vor.u32 v13, v3;
	v26 =	vor.u32 v13, v60;
	v20 =	vor.u32 v13, v38  }
0x112: {  	s24 =	simm.s32 $0x8;
	v41 =	vadd.f32 v39, v0;
	v38 =	vadd.f32 v52, v36;
	v46 =	vld.idx.msk [tilespmem:v14+s4+$0x0], $0xffff;
	v14 =	vor.u32 v13, v63  }
.LBB2_12:
0x113: {  	v3 =	vld.idx.msk [tilespmem:v51+s4+$0x0], $0xffff  }
0x114: {  	v1 =	vlaneseq.u32;
	s25 =	sadd.s32 $0x1, s24;
	v5 =	vor.u32 v13, v17;
	s30 =	sadd.s32 $0x5, s24;
	v58 =	vld.idx.msk [tilespmem:v50+s4+$0x0], $0xffff;
	v29 =	vadd.f32 v35, v29  }
0x115: {  	s28 =	sadd.s32 $0x3, s24;
	s29 =	sadd.s32 $0x6, s24;
	v45 =	vld.idx.msk [tilespmem:v45+s4+$0x0], $0xffff;
	v0 =	vadd.s32 s24, v1;
	v17 =	vadd.s32 s25, v1;
	v60 =	vadd.s32 s30, v1  }
0x116: {  	s31 =	sadd.s32 $0x7, s24;
	v50 =	vld.idx.msk [tilespmem:v37+s4+$0x0], $0xffff;
	v37 =	vadd.s32 s28, v1;
	v56 =	vadd.s32 s29, v1;
	v36 =	vand.u32 $0x3F, v0  }
0x117: {  	v51 =	vld.idx.msk [tilespmem:v33+s4+$0x0], $0xffff;
	v39 =	vand.u32 $0x3F, v17;
	v17 =	vadd.s32 s31, v1;
	v29 =	vadd.f32 v38, v29  }
0x118: {  	v52 =	vld.idx.msk [tilespmem:v34+s4+$0x0], $0xffff;
	[tilespmem:$0x1FF20] =	vst v5;
	v62 =	vand.u32 $0x3F, v37;
	v38 =	vand.u32 $0x3F, v17;
	v17 =	vand.u32 $0x3F, v60  }
0x119: {  	v5 =	vor.u32 v11, v39;
	v2 =	vadd.f32 v47, v42;
	v46 =	vadd.f32 v46, v48;
	v48 =	vld.idx.msk [tilespmem:v27+s4+$0x0], $0xffff  }
0x11a: {  	s26 =	sadd.s32 $0x2, s24;
	v49 =	vadd.f32 v24, v49;
	v24 =	vor.u32 v9, v38;
	v3 =	vadd.f32 v3, v21;
	v21 =	vld.idx.msk [tilespmem:v22+s4+$0x0], $0xffff  }
0x11b: {  	v42 =	vadd.s32 s26, v1;
	s26 =	sadd.s32 $0x4, s24;
	v34 =	vor.u32 v11, v38;
	v40 =	vadd.f32 v45, v40;
	v45 =	vld.idx.msk [tilespmem:v23+s4+$0x0], $0xffff  }
0x11c: {  	v7 =	vor.u32 v11, v17;
	v59 =	vadd.s32 s26, v1;
	v43 =	vadd.f32 v43, v58;
	v58 =	vld.idx.msk [tilespmem:v31+s4+$0x0], $0xffff  }
0x11d: {  	v31 =	vadd.f32 v4, v32;
	v32 =	vor.u32 v10, v36;
	v0 =	vand.u32 $0x3F, v59;
	v59 =	vld.idx.msk [tilespmem:v25+s4+$0x0], $0xffff  }
0x11e: {  	v61 =	vor.u32 v8, v39;
	v6 =	vor.u32 v8, v62;
	v47 =	vor.u32 v9, v0;
	v5 =	vld.idx.msk [tilespmem:v5+s4+$0x0], $0xffff  }
0x11f: {  	v18 =	vadd.f32 v44, v18;
	v12 =	vand.u32 $0x3F, v42;
	v42 =	vor.u32 v11, v62;
	v63 =	vld.idx.msk [tilespmem:v24+s4+$0x0], $0xffff  }
0x120: {  	v54 =	vor.u32 v10, v38;
	v57 =	vor.u32 v8, v38;
	v60 =	vmax.f32 v29, $0.0e+00;
	v29 =	vld.idx.msk [tilespmem:v34+s4+$0x0], $0xffff  }
0x121: {  	v35 =	vor.u32 v9, v17;
	v27 =	vor.u32 v10, v39;
	v3 =	vadd.f32 v3, v18;
	v18 =	vld.idx.msk [tilespmem:v7+s4+$0x0], $0xffff  }
0x122: {  	v22 =	vor.u32 v9, v39;
	v23 =	vor.u32 v11, v12;
	v33 =	vor.u32 v8, v0;
	v24 =	vld.idx.msk [tilespmem:v32+s4+$0x0], $0xffff  }
0x123: {  	v37 =	vor.u32 v9, v12;
	v55 =	vor.u32 v10, v0;
	v1 =	vld.idx.msk [tilespmem:v47+s4+$0x0], $0xffff;
	v47 =	vadd.f32 v48, v21  }
0x124: {  	v25 =	vor.u32 v9, v62;
	v53 =	vor.u32 v11, v0;
	v41 =	vadd.f32 v41, v31;
	v42 =	vld.idx.msk [tilespmem:v42+s4+$0x0], $0xffff  }
0x125: {  	v31 =	vor.u32 v10, v62;
	v44 =	vadd.f32 v43, v46;
	v30 =	vadd.f32 v47, v30;
	v47 =	vld.idx.msk [tilespmem:v6+s4+$0x0], $0xffff  }
0x126: {  	v40 =	vadd.f32 v49, v40;
	v34 =	vor.u32 v10, v12;
	v7 =	vadd.f32 v51, v45;
	v6 =	vld [tilespmem:$0x1FF20]  }
0x127: {  	v45 =	vor.u32 v8, v36;
	v49 =	vadd.f32 v58, v59;
	v58 =	vmax.f32 v41, $0.0e+00;
	v4 =	vld.idx.msk [tilespmem:v33+s4+$0x0], $0xffff  }
0x128: {  	v59 =	vadd.f32 v52, v50;
	v55 =	vld.idx.msk [tilespmem:v55+s4+$0x0], $0xffff;
	[tilespmem:v28+s14+$0x0] =	vst.idx.msk vm0, v58;
	v28 =	vor.u32 v11, v36  }
0x129: {  	v48 =	vor.u32 v13, v15;
	v21 =	vld.idx.msk [tilespmem:v35+s4+$0x0], $0xffff;
	v15 =	vand.u32 $0x3F, v56;
	v2 =	vadd.f32 v49, v2  }
0x12a: {  	v51 =	vor.u32 v10, v17;
	v56 =	vld.idx.msk [tilespmem:v61+s4+$0x0], $0xffff;
	v61 =	vor.u32 v10, v15;
	v7 =	vadd.f32 v59, v7  }
0x12b: {  	v35 =	vld.idx.msk [tilespmem:v57+s4+$0x0], $0xffff;
	[tilespmem:v26+s14+$0x0] =	vst.idx.msk vm0, v60;
	v46 =	vor.u32 v8, v15;
	v2 =	vmax.f32 v2, $0.0e+00  }
0x12c: {  	v60 =	vor.u32 v9, v36;
	v32 =	vld.idx.msk [tilespmem:v53+s4+$0x0], $0xffff;
	v7 =	vmax.f32 v7, $0.0e+00;
	[tilespmem:v20+s14+$0x0] =	vst.idx.msk vm0, v2  }
0x12d: {  	v3 =	vmax.f32 v3, $0.0e+00;
	v26 =	vmax.f32 v40, $0.0e+00;
	v57 =	vor.u32 v11, v15;
	[tilespmem:v16+s14+$0x0] =	vst.idx.msk vm0, v7;
	v40 =	vld.idx.msk [tilespmem:v28+s4+$0x0], $0xffff  }
0x12e: {  	p0 =	slt.u32 s24, $0x38;
	v30 =	vmax.f32 v30, $0.0e+00;
	[tilespmem:v6+s14+$0x0] =	vst.idx.msk vm0, v3;
	v3 =	vor.u32 v8, v17;
	v6 =	vld.idx.msk [tilespmem:v54+s4+$0x0], $0xffff  }
.Ltmp4:
0x12f: {  	v33 =	vor.u32 v8, v12;
	v50 =	vor.u32 v9, v15;
	[tilespmem:v19+s14+$0x0] =	vst.idx.msk vm0, v30;
	v43 =	vld.idx.msk [tilespmem:v61+s4+$0x0], $0xffff;
	(pc) =	sbr.rel @p0 .LBB2_12-.Ltmp4, $4  }
0x130: {  	v16 =	vor.u32 v13, v12;
	[tilespmem:v14+s14+$0x0] =	vst.idx.msk vm0, v26;
	v61 =	vmax.f32 v44, $0.0e+00;
	v46 =	vld.idx.msk [tilespmem:v46+s4+$0x0], $0xffff  }
0x131: {  	v20 =	vor.u32 v13, v62;
	v30 =	vadd.f32 v56, v5;
	v49 =	vld.idx.msk [tilespmem:v60+s4+$0x0], $0xffff;
	[tilespmem:v48+s14+$0x0] =	vst.idx.msk vm0, v61  }
0x132: {  	v19 =	vor.u32 v13, v39;
	v14 =	vor.u32 v13, v36;
	v28 =	vor.u32 v13, v0;
	v48 =	vld.idx.msk [tilespmem:v57+s4+$0x0], $0xffff  }
0x133: {  	s24 =	sadd.s32 $0x8, s24;
	v26 =	vor.u32 v13, v38;
	v41 =	vadd.f32 v55, v1;
	v44 =	vld.idx.msk [tilespmem:v3+s4+$0x0], $0xffff;
	v38 =	vadd.f32 v6, v63  }
0x134: {  	_ =	sdelay $0x3  }
0x135: {  	v0 =	vld.idx.msk [tilespmem:v51+s4+$0x0], $0xffff  }
0x136: {  	v1 =	vld.idx.msk [tilespmem:v50+s4+$0x0], $0xffff  }
0x137: {  	v2 =	vld.idx.msk [tilespmem:v37+s4+$0x0], $0xffff  }
0x138: {  	v3 =	vld.idx.msk [tilespmem:v33+s4+$0x0], $0xffff  }
0x139: {  	v5 =	vld.idx.msk [tilespmem:v27+s4+$0x0], $0xffff  }
0x13a: {  	v7 =	vld.idx.msk [tilespmem:v22+s4+$0x0], $0xffff  }
0x13b: {  	v6 =	vadd.f32 v35, v29;
	v8 =	vld.idx.msk [tilespmem:v31+s4+$0x0], $0xffff  }
0x13c: {  	v9 =	vadd.f32 v47, v42;
	v10 =	vld.idx.msk [tilespmem:v25+s4+$0x0], $0xffff;
	v4 =	vadd.f32 v4, v32  }
0x13d: {  	v12 =	vld.idx.msk [tilespmem:v23+s4+$0x0], $0xffff;
	v6 =	vadd.f32 v38, v6;
	v11 =	vadd.f32 v24, v49  }
0x13e: {  	v56 =	vld.idx.msk [tilespmem:v45+s4+$0x0], $0xffff;
	v4 =	vadd.f32 v41, v4;
	v55 =	vadd.f32 v46, v48  }
0x13f: {  	v54 =	vld.idx.msk [tilespmem:v34+s4+$0x0], $0xffff;
	v17 =	vor.u32 v13, v17;
	v18 =	vadd.f32 v44, v18;
	v0 =	vadd.f32 v0, v21  }
0x140: {  	v57 =	vor.u32 v13, v15;
	v1 =	vadd.f32 v43, v1;
	v5 =	vadd.f32 v5, v7  }
0x141: {  	v4 =	vmax.f32 v4, $0.0e+00;
	v8 =	vadd.f32 v8, v10;
	v0 =	vadd.f32 v0, v18  }
0x142: {  	v6 =	vmax.f32 v6, $0.0e+00;
	v3 =	vadd.f32 v3, v12;
	[tilespmem:v28+s14+$0x0] =	vst.idx.msk vm0, v4;
	v5 =	vadd.f32 v5, v30  }
0x143: {  	s23 =	sadd.s32 $0x1, s23;
	[tilespmem:v26+s14+$0x0] =	vst.idx.msk vm0, v6;
	v59 =	vadd.f32 v56, v40;
	v58 =	vadd.f32 v8, v9;
	v0 =	vmax.f32 v0, $0.0e+00  }
0x144: {  	p0 =	sne.s32 s23, $0x6;
	v2 =	vadd.f32 v54, v2;
	v1 =	vadd.f32 v1, v55;
	v5 =	vmax.f32 v5, $0.0e+00;
	[tilespmem:v17+s14+$0x0] =	vst.idx.msk vm0, v0  }
.Ltmp5:
0x145: {  	v62 =	vadd.f32 v11, v59;
	v61 =	vmax.f32 v58, $0.0e+00;
	[tilespmem:v19+s14+$0x0] =	vst.idx.msk vm0, v5;
	(pc) =	sbr.rel @p0 .LBB2_11-.Ltmp5, $4  }
0x146: {  	v60 =	vadd.f32 v2, v3;
	v1 =	vmax.f32 v1, $0.0e+00;
	[tilespmem:v20+s14+$0x0] =	vst.idx.msk vm0, v61  }
0x147: {  	v63 =	vmax.f32 v62, $0.0e+00;
	[tilespmem:v57+s14+$0x0] =	vst.idx.msk vm0, v1  }
0x148: {  	v0 =	vmax.f32 v60, $0.0e+00;
	[tilespmem:v14+s14+$0x0] =	vst.idx.msk vm0, v63  }
0x149: {  	[tilespmem:v16+s14+$0x0] =	vst.idx.msk vm0, v0  }
0x14a: {  	[hbm4b:s21+s4] =	stream.linear.scatter [tilespmem:s14], [sflag:$0x1], $0x3000, $0x38;
	[tilespmem:$0x1FC00] =	vst v63  }
0x14b: {  	s20 =	sadd.s32 $0x3000, s20;
	_ =	swait.ge [sflag:s17], $0x3400  }
0x14c: {  	s20 =	sshrl.u32 s20, $0x3;
	[sflag:s17] =	ssyncset.done $0x0  }
0x14d: {  	s21 =	simm.s32 $0x6;
	s20 =	sadd.s32 s7, s20;
	[sflag:s17] =	ssyncadd.s32 $0xFFFFCC00  }
.LBB2_15:
0x14e: {  	v1 =	vld [tilespmem:$0x1FF50];
	_ =	sdelay $0x5  }
0x14f: {  	v5 =	vld [tilespmem:$0x1FF30]  }
0x150: {  	s22 =	sshll.u32 s21, $0x4;
	v4 =	vld [tilespmem:$0x1FF40]  }
0x151: {  	v0 =	vld.idx.msk [tilespmem:v1+s22+$0x19480 ss:$0x1], $0xffff  }
0x152: {  	v1 =	vld.idx.msk [tilespmem:v1+s22+$0x19100 ss:$0x1], $0xffff;
	_ =	sdelay $0x3  }
0x153: {  	v22 =	vlaneseq.u32;
	s26 =	simm.s32 $0x0  }
0x154: {  	v7 =	vadd.s32 s26, v22;
	v2 =	vsub.s32 v5, v0;
	v3 =	vsub.s32 v4, v1  }
0x155: {  	s23 =	simm.s32 $0x7;
	v0 =	vsub.s32 v4, v0;
	v1 =	vsub.s32 v5, v1;
	v2 =	vshll.u32 v2, $0x6  }
0x156: {  	v8 =	vadd.s32 $0x9640, v2;
	v2 =	vshll.u32 v3, $0x6;
	v3 =	vadd.s32 s23, v22  }
0x157: {  	s24 =	simm.s32 $0x4;
	v1 =	vshll.u32 v1, $0x6;
	v9 =	vadd.s32 $0xFA80, v2;
	v12 =	vand.u32 $0x3F, v3  }
0x158: {  	s25 =	simm.s32 $0x5;
	v11 =	vadd.s32 $0x3200, v1;
	v2 =	vadd.s32 s24, v22;
	v4 =	vor.u32 v9, v12  }
0x159: {  	v1 =	vadd.s32 s25, v22;
	v2 =	vand.u32 $0x3F, v2;
	v13 =	vor.u32 v11, v12  }
0x15a: {  	v0 =	vshll.u32 v0, $0x6;
	v17 =	vand.u32 $0x3F, v1;
	v5 =	vor.u32 v8, v2  }
0x15b: {  	v10 =	vadd.s32 $0x15EC0, v0;
	v1 =	vand.u32 $0x3F, v7;
	v7 =	vor.u32 v9, v17  }
0x15c: {  	v15 =	vor.u32 v10, v1  }
0x15d: {  	s28 =	simm.s32 $0x1;
	v16 =	vor.u32 v8, v12;
	v4 =	vld.idx.msk [tilespmem:v4+s4+$0x0], $0xffff  }
0x15e: {  	s29 =	simm.s32 $0x3;
	v14 =	vadd.s32 s28, v22;
	v0 =	vor.u32 v9, v2;
	v29 =	vld.idx.msk [tilespmem:v13+s4+$0x0], $0xffff  }
0x15f: {  	v6 =	vor.u32 v10, v2;
	v3 =	vld.idx.msk [tilespmem:v5+s4+$0x0], $0xffff;
	v5 =	vand.u32 $0x3F, v14;
	v14 =	vadd.s32 s29, v22  }
0x160: {  	v21 =	vld.idx.msk [tilespmem:v7+s4+$0x0], $0xffff;
	v18 =	vor.u32 v8, v5;
	v20 =	vand.u32 $0x3F, v14  }
0x161: {  	v24 =	vld.idx.msk [tilespmem:v15+s4+$0x0], $0xffff;
	v14 =	vor.u32 v11, v20  }
0x162: {  	v35 =	vld.idx.msk [tilespmem:v16+s4+$0x0], $0xffff  }
0x163: {  	v0 =	vld.idx.msk [tilespmem:v0+s4+$0x0], $0xffff;
	v7 =	vor.u32 v11, v5  }
0x164: {  	s30 =	simm.s32 $0x6;
	v25 =	vor.u32 v10, v12;
	v6 =	vld.idx.msk [tilespmem:v6+s4+$0x0], $0xffff  }
0x165: {  	v36 =	vor.u32 v11, v1;
	v15 =	vadd.s32 s30, v22;
	v26 =	vld.idx.msk [tilespmem:v18+s4+$0x0], $0xffff  }
0x166: {  	v13 =	vor.u32 v11, v17;
	v15 =	vand.u32 $0x3F, v15;
	v42 =	vld.idx.msk [tilespmem:v14+s4+$0x0], $0xffff  }
0x167: {  	v30 =	vor.u32 v8, v15;
	v14 =	vld [tilespmem:$0x1FFE0]  }
0x168: {  	v16 =	vor.u32 v8, v20;
	v7 =	vld.idx.msk [tilespmem:v7+s4+$0x0], $0xffff  }
0x169: {  	v44 =	vor.u32 v8, v17;
	v45 =	vor.u32 v8, v1;
	v51 =	vor.u32 v10, v17;
	v52 =	vld.idx.msk [tilespmem:v25+s4+$0x0], $0xffff  }
0x16a: {  	v19 =	vor.u32 v11, v2;
	v40 =	vld.idx.msk [tilespmem:v36+s4+$0x0], $0xffff;
	v28 =	vor.u32 v10, v15;
	v39 =	vor.u32 v11, v15  }
0x16b: {  	v27 =	vor.u32 v10, v5;
	v50 =	vor.u32 v9, v15;
	v25 =	vor.u32 v9, v20;
	v18 =	vld.idx.msk [tilespmem:v13+s4+$0x0], $0xffff  }
0x16c: {  	v31 =	vor.u32 v10, v20;
	v41 =	vadd.f32 v6, v0;
	v46 =	vld.idx.msk [tilespmem:v30+s4+$0x0], $0xffff;
	v14 =	vadd.s32 s22, v14  }
0x16d: {  	s31 =	simm.s32 $0x2;
	v47 =	vld.idx.msk [tilespmem:v16+s4+$0x0], $0xffff;
	v16 =	vor.u32 v9, v1;
	v30 =	vadd.f32 v26, v7;
	v13 =	vshll.u32 v14, $0x7  }
0x16e: {  	v44 =	vld.idx.msk [tilespmem:v44+s4+$0x0], $0xffff;
	vm0 =	vlt.s32 v14, $0x68;
	v14 =	vadd.s32 s31, v22;
	v22 =	vor.u32 v9, v5  }
0x16f: {  	v32 =	vld.idx.msk [tilespmem:v19+s4+$0x0], $0xffff;
	v38 =	vand.u32 $0x3F, v14;
	v14 =	vor.u32 v13, v1;
	v19 =	vor.u32 v13, v5  }
0x170: {  	v43 =	vld.idx.msk [tilespmem:v28+s4+$0x0], $0xffff;
	v28 =	vor.u32 v13, v2;
	v26 =	vor.u32 v13, v12;
	v37 =	vor.u32 v9, v38  }
0x171: {  	v48 =	vld.idx.msk [tilespmem:v39+s4+$0x0], $0xffff;
	v20 =	vor.u32 v13, v20;
	v23 =	vor.u32 v11, v38;
	v33 =	vor.u32 v8, v38  }
0x172: {  	v49 =	vld.idx.msk [tilespmem:v16+s4+$0x0], $0xffff;
	s22 =	simm.s32 $0x8;
	v34 =	vor.u32 v10, v38;
	v16 =	vor.u32 v13, v38;
	v38 =	vadd.f32 v52, v4  }
.LBB2_16:
0x173: {  	v6 =	vld.idx.msk [tilespmem:v50+s4+$0x0], $0xffff  }
0x174: {  	v7 =	vadd.f32 v35, v29;
	v29 =	vld.idx.msk [tilespmem:v45+s4+$0x0], $0xffff  }
0x175: {  	v1 =	vlaneseq.u32;
	s23 =	sadd.s32 $0x1, s22;
	s25 =	sadd.s32 $0x3, s22;
	v4 =	vor.u32 v13, v17;
	v45 =	vld.idx.msk [tilespmem:v37+s4+$0x0], $0xffff  }
0x176: {  	s29 =	sadd.s32 $0x4, s22;
	v37 =	vld.idx.msk [tilespmem:v27+s4+$0x0], $0xffff;
	v0 =	vadd.s32 s22, v1;
	[tilespmem:$0x1FF10] =	vst v4;
	v4 =	vadd.s32 s23, v1;
	v63 =	vadd.s32 s25, v1  }
0x177: {  	s31 =	sadd.s32 $0x7, s22;
	v54 =	vld.idx.msk [tilespmem:v31+s4+$0x0], $0xffff;
	v36 =	vand.u32 $0x3F, v0;
	v0 =	vadd.s32 s29, v1;
	v39 =	vand.u32 $0x3F, v4  }
0x178: {  	v55 =	vld.idx.msk [tilespmem:v25+s4+$0x0], $0xffff;
	v4 =	vadd.s32 s31, v1;
	v57 =	vand.u32 $0x3F, v63;
	v56 =	vor.u32 v8, v39  }
0x179: {  	v7 =	vadd.f32 v38, v7;
	v63 =	vor.u32 v11, v57;
	v2 =	vadd.f32 v47, v42;
	v47 =	vld.idx.msk [tilespmem:v33+s4+$0x0], $0xffff  }
0x17a: {  	v38 =	vand.u32 $0x3F, v4;
	v59 =	vor.u32 v11, v39;
	v4 =	vadd.f32 v24, v49;
	v49 =	vld.idx.msk [tilespmem:v34+s4+$0x0], $0xffff  }
0x17b: {  	v0 =	vand.u32 $0x3F, v0;
	v24 =	vor.u32 v9, v38;
	[tilespmem:$0x1FF00] =	vst v2;
	v2 =	vld.idx.msk [tilespmem:v51+s4+$0x0], $0xffff  }
0x17c: {  	v42 =	vadd.f32 v46, v48;
	v33 =	vor.u32 v8, v0;
	v6 =	vadd.f32 v43, v6;
	v51 =	vld.idx.msk [tilespmem:v23+s4+$0x0], $0xffff  }
0x17d: {  	v50 =	vor.u32 v10, v0;
	v18 =	vadd.f32 v44, v18;
	v44 =	vld.idx.msk [tilespmem:v56+s4+$0x0], $0xffff  }
0x17e: {  	v34 =	vor.u32 v11, v38;
	v6 =	vadd.f32 v6, v42;
	v42 =	vld.idx.msk [tilespmem:v63+s4+$0x0], $0xffff  }
0x17f: {  	s30 =	sadd.s32 $0x5, s22;
	v56 =	vld.idx.msk [tilespmem:v59+s4+$0x0], $0xffff  }
0x180: {  	v17 =	vadd.s32 s30, v1;
	v31 =	vadd.f32 v3, v32;
	v32 =	vor.u32 v10, v36;
	v58 =	vld.idx.msk [tilespmem:v24+s4+$0x0], $0xffff  }
0x181: {  	s24 =	sadd.s32 $0x2, s22;
	s26 =	sadd.s32 $0x6, s22;
	v17 =	vand.u32 $0x3F, v17;
	v43 =	vor.u32 v9, v0;
	v3 =	vld.idx.msk [tilespmem:v33+s4+$0x0], $0xffff  }
0x182: {  	v5 =	vadd.s32 s24, v1;
	v52 =	vadd.s32 s26, v1;
	v61 =	vor.u32 v11, v17;
	v1 =	vld.idx.msk [tilespmem:v50+s4+$0x0], $0xffff  }
0x183: {  	v12 =	vor.u32 v13, v15;
	v40 =	vadd.f32 v29, v40;
	v29 =	vld.idx.msk [tilespmem:v34+s4+$0x0], $0xffff  }
0x184: {  	v5 =	vand.u32 $0x3F, v5;
	v35 =	vor.u32 v9, v17;
	v2 =	vadd.f32 v2, v21;
	v21 =	vld.idx.msk [tilespmem:v22+s4+$0x0], $0xffff  }
0x185: {  	v15 =	vand.u32 $0x3F, v52;
	v60 =	vor.u32 v8, v57;
	v53 =	vor.u32 v8, v38;
	v24 =	vld.idx.msk [tilespmem:v32+s4+$0x0], $0xffff  }
0x186: {  	v27 =	vor.u32 v10, v39;
	v25 =	vor.u32 v9, v57;
	v52 =	vor.u32 v11, v15;
	v62 =	vld.idx.msk [tilespmem:v43+s4+$0x0], $0xffff  }
0x187: {  	v46 =	vor.u32 v11, v0;
	v48 =	vor.u32 v10, v38;
	v2 =	vadd.f32 v2, v18;
	v18 =	vld.idx.msk [tilespmem:v61+s4+$0x0], $0xffff  }
0x188: {  	v7 =	vmax.f32 v7, $0.0e+00;
	v41 =	vadd.f32 v41, v31;
	v31 =	vor.u32 v10, v57;
	v61 =	vld [tilespmem:$0x1FF10]  }
0x189: {  	v23 =	vor.u32 v11, v5;
	v4 =	vadd.f32 v4, v40;
	v43 =	vadd.f32 v37, v21;
	v21 =	vld.idx.msk [tilespmem:v35+s4+$0x0], $0xffff  }
0x18a: {  	v40 =	vor.u32 v10, v15;
	v59 =	vor.u32 v9, v36;
	v33 =	vor.u32 v8, v5;
	v35 =	vld.idx.msk [tilespmem:v53+s4+$0x0], $0xffff  }
0x18b: {  	v34 =	vor.u32 v10, v5;
	v50 =	vor.u32 v8, v15;
	[tilespmem:v26+s15+$0x0] =	vst.idx.msk vm0, v7;
	v26 =	vld [tilespmem:$0x1FF00]  }
0x18c: {  	v53 =	vadd.f32 v54, v55;
	v54 =	vmax.f32 v41, $0.0e+00;
	v55 =	vadd.f32 v47, v51;
	v47 =	vld.idx.msk [tilespmem:v60+s4+$0x0], $0xffff  }
0x18d: {  	v45 =	vadd.f32 v49, v45;
	v4 =	vmax.f32 v4, $0.0e+00;
	v6 =	vmax.f32 v6, $0.0e+00;
	[tilespmem:v28+s15+$0x0] =	vst.idx.msk vm0, v54;
	v63 =	vld.idx.msk [tilespmem:v48+s4+$0x0], $0xffff  }
0x18e: {  	v22 =	vor.u32 v9, v39;
	v2 =	vmax.f32 v2, $0.0e+00;
	v37 =	vor.u32 v9, v5;
	v32 =	vld.idx.msk [tilespmem:v46+s4+$0x0], $0xffff  }
0x18f: {  	v51 =	vor.u32 v10, v17;
	v28 =	vor.u32 v11, v36;
	v30 =	vadd.f32 v43, v30;
	v43 =	vld.idx.msk [tilespmem:v40+s4+$0x0], $0xffff  }
0x190: {  	v41 =	vadd.f32 v1, v62;
	v7 =	vadd.f32 v45, v55;
	v46 =	vld.idx.msk [tilespmem:v50+s4+$0x0], $0xffff;
	[tilespmem:v12+s15+$0x0] =	vst.idx.msk vm0, v6  }
0x191: {  	p0 =	slt.u32 s22, $0x38;
	v45 =	vor.u32 v8, v36;
	v30 =	vmax.f32 v30, $0.0e+00;
	[tilespmem:v61+s15+$0x0] =	vst.idx.msk vm0, v2;
	v2 =	vor.u32 v8, v17  }
.Ltmp6:
0x192: {  	v50 =	vor.u32 v9, v15;
	v7 =	vmax.f32 v7, $0.0e+00;
	v26 =	vadd.f32 v53, v26;
	[tilespmem:v19+s15+$0x0] =	vst.idx.msk vm0, v30;
	(pc) =	sbr.rel @p0 .LBB2_16-.Ltmp6, $4  }
0x193: {  	v48 =	vld.idx.msk [tilespmem:v52+s4+$0x0], $0xffff;
	v30 =	vadd.f32 v44, v56;
	[tilespmem:v16+s15+$0x0] =	vst.idx.msk vm0, v7;
	v16 =	vor.u32 v13, v5  }
0x194: {  	v40 =	vld.idx.msk [tilespmem:v28+s4+$0x0], $0xffff;
	[tilespmem:v14+s15+$0x0] =	vst.idx.msk vm0, v4;
	v14 =	vor.u32 v13, v36;
	v28 =	vor.u32 v13, v0  }
0x195: {  	v19 =	vmax.f32 v26, $0.0e+00;
	v49 =	vld.idx.msk [tilespmem:v59+s4+$0x0], $0xffff;
	v26 =	vor.u32 v13, v38;
	v38 =	vadd.f32 v63, v58  }
0x196: {  	s22 =	sadd.s32 $0x8, s22;
	[tilespmem:v20+s15+$0x0] =	vst.idx.msk vm0, v19;
	v19 =	vor.u32 v13, v39;
	v20 =	vor.u32 v13, v57;
	v44 =	vld.idx.msk [tilespmem:v2+s4+$0x0], $0xffff  }
0x197: {  	_ =	sdelay $0x3  }
0x198: {  	v0 =	vld.idx.msk [tilespmem:v51+s4+$0x0], $0xffff  }
0x199: {  	v1 =	vld.idx.msk [tilespmem:v50+s4+$0x0], $0xffff  }
0x19a: {  	v2 =	vld.idx.msk [tilespmem:v37+s4+$0x0], $0xffff  }
0x19b: {  	v4 =	vld.idx.msk [tilespmem:v33+s4+$0x0], $0xffff  }
0x19c: {  	v5 =	vld.idx.msk [tilespmem:v27+s4+$0x0], $0xffff  }
0x19d: {  	v7 =	vld.idx.msk [tilespmem:v22+s4+$0x0], $0xffff  }
0x19e: {  	v6 =	vadd.f32 v35, v29;
	v8 =	vld.idx.msk [tilespmem:v31+s4+$0x0], $0xffff  }
0x19f: {  	v9 =	vadd.f32 v47, v42;
	v10 =	vld.idx.msk [tilespmem:v25+s4+$0x0], $0xffff;
	v3 =	vadd.f32 v3, v32  }
0x1a0: {  	v12 =	vld.idx.msk [tilespmem:v23+s4+$0x0], $0xffff;
	v55 =	vadd.f32 v46, v48;
	v6 =	vadd.f32 v38, v6  }
0x1a1: {  	v56 =	vld.idx.msk [tilespmem:v45+s4+$0x0], $0xffff;
	v3 =	vadd.f32 v41, v3;
	v11 =	vadd.f32 v24, v49  }
0x1a2: {  	v54 =	vld.idx.msk [tilespmem:v34+s4+$0x0], $0xffff;
	v17 =	vor.u32 v13, v17;
	v18 =	vadd.f32 v44, v18;
	v0 =	vadd.f32 v0, v21  }
0x1a3: {  	v57 =	vor.u32 v13, v15;
	v1 =	vadd.f32 v43, v1;
	v5 =	vadd.f32 v5, v7  }
0x1a4: {  	v3 =	vmax.f32 v3, $0.0e+00;
	v8 =	vadd.f32 v8, v10;
	v0 =	vadd.f32 v0, v18  }
0x1a5: {  	v6 =	vmax.f32 v6, $0.0e+00;
	v4 =	vadd.f32 v4, v12;
	[tilespmem:v28+s15+$0x0] =	vst.idx.msk vm0, v3;
	v5 =	vadd.f32 v5, v30  }
0x1a6: {  	s21 =	sadd.s32 $0x1, s21;
	[tilespmem:v26+s15+$0x0] =	vst.idx.msk vm0, v6;
	v59 =	vadd.f32 v56, v40;
	v58 =	vadd.f32 v8, v9;
	v0 =	vmax.f32 v0, $0.0e+00  }
0x1a7: {  	p0 =	sne.s32 s21, $0xD;
	v2 =	vadd.f32 v54, v2;
	v1 =	vadd.f32 v1, v55;
	v5 =	vmax.f32 v5, $0.0e+00;
	[tilespmem:v17+s15+$0x0] =	vst.idx.msk vm0, v0  }
.Ltmp7:
0x1a8: {  	v62 =	vadd.f32 v11, v59;
	v61 =	vmax.f32 v58, $0.0e+00;
	[tilespmem:v19+s15+$0x0] =	vst.idx.msk vm0, v5;
	(pc) =	sbr.rel @p0 .LBB2_15-.Ltmp7, $4  }
0x1a9: {  	v60 =	vadd.f32 v2, v4;
	v1 =	vmax.f32 v1, $0.0e+00;
	[tilespmem:v20+s15+$0x0] =	vst.idx.msk vm0, v61  }
0x1aa: {  	v63 =	vmax.f32 v62, $0.0e+00;
	[tilespmem:v57+s15+$0x0] =	vst.idx.msk vm0, v1  }
0x1ab: {  	v0 =	vmax.f32 v60, $0.0e+00;
	[tilespmem:v14+s15+$0x0] =	vst.idx.msk vm0, v63  }
0x1ac: {  	[tilespmem:v16+s15+$0x0] =	vst.idx.msk vm0, v0  }
0x1ad: {  	s19 =	sadd.s32 $0x1, s19  }
0x1ae: {  	p0 =	sne.s32 s19, $0x19  }
.Ltmp8:
0x1af: {  	_ = 	snop;
	(pc) =	sbr.rel @p0 .LBB2_10-.Ltmp8, $2  }
0x1b0: {  	_ =	sdelay $0x2  }
0x1b1: {  	[hbm4b:s20+s4] =	stream.linear.scatter [tilespmem:s15], [sflag:$0x2], $0x3400, $0x38;
	[tilespmem:$0x1FC00] =	vst v63  }
0x1b2: {  	s18 =	sadd.s32 $0x1, s18  }
0x1b3: {  	_ =	swait.ge [sflag:s16], $0x3000;
	p0 =	sne.s32 s18, s10  }
.Ltmp9:
0x1b4: {  	[sflag:s16] =	ssyncset.done $0x0;
	(pc) =	sbr.rel @p0 .LBB2_1-.Ltmp9, $4  }
0x1b5: {  	[sflag:s16] =	ssyncadd.s32 $0xFFFFD000  }
0x1b6: {  	_ =	swait.ge [sflag:s17], $0x3400  }
0x1b7: {  	[sflag:s17] =	ssyncset.done $0x0  }
0x1b8: {  	v1 =	vlaneseq.u32;
	[sflag:s17] =	ssyncadd.s32 $0xFFFFCC00  }
0x1b9: {  	_ =	sfence.sel $0x180000  }
0x1ba: {  	[bflag:$0x0] =	sbarrier.arrive $0xFFFF  }
0x1bb: {  	p0 =	sne.s32 s0, $0x0;
	_ =	strace $0x90000047  }
0x1bc: {  	s0 =	sadd.s32 @!p0 $0x100000, s1;
	[bflag:$0x2] =	sbarrier.arrive $0xFFFF  }
0x1bd: {  	[sflag:s0] =	ssyncadd.tile.s32 @!p0 $0x1;
	_ =	shalt  }
.Lfunc_end2:
_tile_overlayer_lowered:
.L_overlay_start_2:
0x1be: {  	(tag) =	ssettag $0x2  }
0x1bf: {  	s0 =	rddreg [dreg:$0x0];
	s2 =	stileid.u32  }
0x1c0: {  	s1 =	rddreg [dreg:$0x1];
	p0 =	sne.s32 s2, $0x0  }
0x1c1: {  	s3 =	rddreg [dreg:$0x2];
	[bflag:$0x3] =	sbarrier.arrive $0xFFFF;
	s2 =	simm.s32 @!p0 $0x1C03  }
0x1c2: {  	[timem:s3], [sflag:s2] =	dma.local @!p0 [hbm:s0], s1  }
0x1c3: {  	s0 =	simm.s32 @!p0 $0x3  }
0x1c4: {  	_ =	swait.ge @!p0 [sflag:s0], s1  }
0x1c5: {  	s1 =	ssub.s32 @!p0 $0x0, s1;
	[sflag:s0] =	ssyncset.done @!p0 $0x0  }
0x1c6: {  	[sflag:s0] =	ssyncadd.s32 @!p0 s1  }
0x1c7: {  	[bflag:$0x3] =	sbarrier.arrive $0xFFFF  }
0x1c8: {  	_ =	shalt  }

</sc_bundles>
